<compile_context>
chip_gen: v7x
topology: tpu7x:2x2x1
jax: 0.10.2.dev20260603
libtpu: 0.0.44.dev20260713+nightly
codegen_flags: <defaults>
</compile_context>

<pallas_src>
import functools

import jax
import jax.numpy as jnp
from jax import lax
from jax.experimental import pallas as pl
from jax.experimental.pallas import tpu as pltpu
from jax.experimental.pallas import tpu_sc as plsc

N_TRUE = 10000
E_TRUE = 320000
D = 128
D_HID = 256
D_OUT = 64

NC = 2
NS = 16
NW = NC * NS

CHUNK = 128
N_PAD = 10240
ROWS_PER_SUB = N_PAD // NS
K0 = 80
K1 = 78
TOTAL_CHUNKS = NS * (K0 + K1)
E_PAD = TOTAL_CHUNKS * CHUNK

BN_TC = 1024
N_BLOCKS = N_PAD // BN_TC


def _sc_segment_sum(table, src_p, dst_p, zeros2d):
  mesh = plsc.VectorSubcoreMesh(core_axis_name="c", subcore_axis_name="s")

  @functools.partial(
      pl.kernel,
      mesh=mesh,
      out_type=[
          jax.ShapeDtypeStruct((NC, N_PAD, D), jnp.float32),
          jax.ShapeDtypeStruct((NW, N_PAD), jnp.float32),
      ],
      compiler_params=pltpu.CompilerParams(needs_layout_passes=False),
      scratch_types=[
          [pltpu.VMEM((CHUNK,), jnp.int32)] * 2,
          [pltpu.VMEM((CHUNK,), jnp.int32)] * 2,
          [pltpu.VMEM((CHUNK, D), jnp.float32)] * 2,
          pltpu.VMEM((N_PAD,), jnp.float32),
          pltpu.VMEM_SHARED((N_PAD, D), jnp.float32),
          [pltpu.SemaphoreType.DMA] * 2,
          [pltpu.SemaphoreType.DMA] * 2,
      ],
  )
  def seg_kernel(tab_hbm, src_hbm, dst_hbm, z_hbm, agg_out, deg_out,
                 src_v, dst_v, rows, deg_v, agg_sh, semg, semi):
    c = lax.axis_index("c")
    s = lax.axis_index("s")
    wid = c * NS + s

    pltpu.sync_copy(z_hbm.at[pl.ds(s * ROWS_PER_SUB, ROWS_PER_SUB)],
                    agg_sh.at[pl.ds(s * ROWS_PER_SUB, ROWS_PER_SUB)])

    zeros16 = jnp.zeros((16,), jnp.float32)
    def _zero_deg(i, carry):
      deg_v[pl.ds(i * 16, 16)] = zeros16
      return carry
    lax.fori_loop(0, N_PAD // 16, _zero_deg, 0)

    plsc.subcore_barrier()

    ones16 = jnp.full((16,), 1.0, jnp.float32)
    nk = jnp.where(c == 0, K0, K1)
    base_chunk = jnp.where(c == 0, s * K0, NS * K0 + s * K1)
    base = base_chunk * CHUNK
    last_off = base + (nk - 1) * CHUNK

    for b in range(2):
      off = base + b * CHUNK
      pltpu.async_copy(src_hbm.at[pl.ds(off, CHUNK)], src_v[b], semi[b])
      pltpu.async_copy(dst_hbm.at[pl.ds(off, CHUNK)], dst_v[b], semi[b])

    def _edge_round(i, carry):
      k = 2 * i
      off0 = base + k * CHUNK
      off1 = base + (k + 1) * CHUNK
      pltpu.make_async_copy(src_hbm.at[pl.ds(off0, CHUNK)], src_v[0],
                            semi[0]).wait()
      pltpu.make_async_copy(dst_hbm.at[pl.ds(off0, CHUNK)], dst_v[0],
                            semi[0]).wait()
      pltpu.async_copy(tab_hbm.at[src_v[0]], rows[0], semg[0])
      for j in range(CHUNK // 16):
        idx = dst_v[0][pl.ds(j * 16, 16)]
        plsc.addupdate_scatter(deg_v, [idx], ones16)
      pltpu.make_async_copy(src_hbm.at[pl.ds(off1, CHUNK)], src_v[1],
                            semi[1]).wait()
      pltpu.make_async_copy(dst_hbm.at[pl.ds(off1, CHUNK)], dst_v[1],
                            semi[1]).wait()
      pltpu.make_async_copy(tab_hbm.at[src_v[0]], rows[0], semg[0]).wait()
      pltpu.async_copy(tab_hbm.at[src_v[1]], rows[1], semg[1])
      pltpu.sync_copy(rows[0], agg_sh.at[dst_v[0]], add=True)
      offn0 = base + jnp.minimum(k + 2, nk - 1) * CHUNK
      pltpu.async_copy(src_hbm.at[pl.ds(offn0, CHUNK)], src_v[0], semi[0])
      pltpu.async_copy(dst_hbm.at[pl.ds(offn0, CHUNK)], dst_v[0], semi[0])
      for j in range(CHUNK // 16):
        idx = dst_v[1][pl.ds(j * 16, 16)]
        plsc.addupdate_scatter(deg_v, [idx], ones16)
      pltpu.make_async_copy(tab_hbm.at[src_v[1]], rows[1], semg[1]).wait()
      pltpu.sync_copy(rows[1], agg_sh.at[dst_v[1]], add=True)
      offn1 = base + jnp.minimum(k + 3, nk - 1) * CHUNK
      pltpu.async_copy(src_hbm.at[pl.ds(offn1, CHUNK)], src_v[1], semi[1])
      pltpu.async_copy(dst_hbm.at[pl.ds(offn1, CHUNK)], dst_v[1], semi[1])
      return carry

    lax.fori_loop(0, nk // 2, _edge_round, 0)

    for b in range(2):
      pltpu.make_async_copy(src_hbm.at[pl.ds(last_off, CHUNK)], src_v[b],
                            semi[b]).wait()
      pltpu.make_async_copy(dst_hbm.at[pl.ds(last_off, CHUNK)], dst_v[b],
                            semi[b]).wait()

    plsc.subcore_barrier()

    pltpu.sync_copy(agg_sh.at[pl.ds(s * ROWS_PER_SUB, ROWS_PER_SUB)],
                    agg_out.at[c, pl.ds(s * ROWS_PER_SUB, ROWS_PER_SUB)])
    pltpu.sync_copy(deg_v, deg_out.at[wid])

  return seg_kernel(table, src_p, dst_p, zeros2d)


def _tc_decode_body(x_ref, agg_ref, deg_ref, we_ref, be_ref, wd1_ref, bd1_ref,
                    wd2_ref, bd2_ref, out_ref, u_acc):
  i = pl.program_id(0)

  @pl.when(i == 0)
  def _():
    u_acc[...] = jnp.zeros((8, D), jnp.float32)

  agg = agg_ref[0] + agg_ref[1]
  deg = jnp.sum(deg_ref[...], axis=0)[:, None]
  mean = agg / jnp.maximum(deg, 1.0)
  z = (x_ref[...] + mean) @ we_ref[...] + be_ref[...]
  h = jnp.maximum(z, 0.0)

  row = i * BN_TC + lax.broadcasted_iota(jnp.int32, (BN_TC, 1), 0)
  h = jnp.where(row < N_TRUE, h, 0.0)
  u_acc[0:1, :] += jnp.sum(h, axis=0, keepdims=True)

  @pl.when(i == N_BLOCKS - 1)
  def _():
    u = u_acc[0:1, :] * (1.0 / N_TRUE)
    hid = jnp.maximum(u @ wd1_ref[...] + bd1_ref[...], 0.0)
    out_ref[...] = hid @ wd2_ref[...] + bd2_ref[...]


def _tc_decode(x_pad, agg2, deg32, W_e, b_e, W_d1, b_d1, W_d2, b_d2):
  out = pl.pallas_call(
      _tc_decode_body,
      grid=(N_BLOCKS,),
      in_specs=[
          pl.BlockSpec((BN_TC, D), lambda i: (i, 0)),
          pl.BlockSpec((NC, BN_TC, D), lambda i: (0, i, 0)),
          pl.BlockSpec((NW, BN_TC), lambda i: (0, i)),
          pl.BlockSpec((D, D), lambda i: (0, 0)),
          pl.BlockSpec((1, D), lambda i: (0, 0)),
          pl.BlockSpec((D, D_HID), lambda i: (0, 0)),
          pl.BlockSpec((1, D_HID), lambda i: (0, 0)),
          pl.BlockSpec((D_HID, D_OUT), lambda i: (0, 0)),
          pl.BlockSpec((1, D_OUT), lambda i: (0, 0)),
      ],
      out_specs=pl.BlockSpec((1, D_OUT), lambda i: (0, 0)),
      out_shape=jax.ShapeDtypeStruct((1, D_OUT), jnp.float32),
      scratch_shapes=[pltpu.VMEM((8, D), jnp.float32)],
  )(x_pad, agg2, deg32, W_e, b_e.reshape(1, D), W_d1, b_d1.reshape(1, D_HID),
    W_d2, b_d2.reshape(1, D_OUT))
  return out.reshape(D_OUT)


@jax.jit
def kernel(x, edge_index, W_e, b_e, W_d1, b_d1, W_d2, b_d2):
  src = edge_index[0].astype(jnp.int32)
  dst = edge_index[1].astype(jnp.int32)
  pad_idx = N_TRUE + jnp.arange(E_PAD - E_TRUE, dtype=jnp.int32) % (
      N_PAD - N_TRUE)
  src_p = jnp.concatenate([src, pad_idx])
  dst_p = jnp.concatenate([dst, pad_idx])
  x_pad = jnp.pad(x, ((0, N_PAD - N_TRUE), (0, 0)))
  zeros2d = jnp.zeros((N_PAD, D), jnp.float32)

  agg2, deg32 = _sc_segment_sum(x_pad, src_p, dst_p, zeros2d)
  return _tc_decode(x_pad, agg2, deg32, W_e, b_e, W_d1, b_d1, W_d2, b_d2)

# --- scband reference (transcript-rebuilt; emitter-appended) ---
"""Pipeline reference for scband-gnavg-41205916237903 (READ-ONLY COPY).

The authoritative reference and input builder live on the scoring server;
editing this copy changes nothing except your own understanding.
"""

import jax, jax.numpy as jnp
import numpy as np

N_NODES = 10000
N_EDGES = 320000
D_FEAT = 128
D_HID = 256
D_OUT = 64


def setup_inputs(seed: int = 0) -> dict:
    key = jax.random.key(seed)
    ks = jax.random.split(key, 8)
    x = jax.random.normal(ks[0], (N_NODES, D_FEAT), dtype=jnp.float32)
    edge_index = jax.random.randint(ks[1], (2, N_EDGES), 0, N_NODES).astype(jnp.int64)
    # frozen feature-extraction block params (used under no_grad in torch)
    W_e = jax.random.normal(ks[2], (D_FEAT, D_FEAT), dtype=jnp.float32) * 0.05
    b_e = jnp.zeros((D_FEAT,), dtype=jnp.float32)
    # dec2 DecoderGlobalStateUpdate MLP params
    W_d1 = jax.random.normal(ks[3], (D_FEAT, D_HID), dtype=jnp.float32) * 0.05
    b_d1 = jnp.zeros((D_HID,), dtype=jnp.float32)
    W_d2 = jax.random.normal(ks[4], (D_HID, D_OUT), dtype=jnp.float32) * 0.05
    b_d2 = jnp.zeros((D_OUT,), dtype=jnp.float32)
    return {"x": x, "edge_index": edge_index, "W_e": W_e, "b_e": b_e,
            "W_d1": W_d1, "b_d1": b_d1, "W_d2": W_d2, "b_d2": b_d2}


def reference(x, edge_index, W_e, b_e, W_d1, b_d1, W_d2, b_d2):
    src = edge_index[0]
    dst = edge_index[1]

    def extract(xv):
        # frozen message-passing feature extractor: mean-aggregate neighbors, linear, relu
        msgs = jnp.take(xv, src, axis=0)                                  # gather [E, D]
        agg = jax.ops.segment_sum(msgs, dst, num_segments=N_NODES)        # scatter-add
        deg = jax.ops.segment_sum(jnp.ones((N_EDGES, 1), jnp.float32), dst, num_segments=N_NODES)
        mean = agg / jnp.maximum(deg, 1.0)
        return jax.nn.relu((xv + mean) @ W_e + b_e)

    # extr_block runs under torch.no_grad() -> stop_gradient
    h = jax.lax.stop_gradient(extract(x))

    # dec1: GNBlock(phi_u=NodeAggregationGlobalStateUpdate, rho_vu=AvgAggregation)
    # -> global state u = average of node attributes
    u = jnp.mean(h, axis=0)

    # dec2: GNBlock(phi_u=DecoderGlobalStateUpdate) -> MLP decode of global state
    hid = jax.nn.relu(u @ W_d1 + b_d1)
    out = hid @ W_d2 + b_d2
    return out

if __name__ == "__main__":
    import jax
    _d = setup_inputs()
    print(jax.jit(kernel)(*tuple(_d.values())))

</pallas_src>

<mosaic_0001>
#map = affine_map<(d0, d1) -> (0, 0)>
#map1 = affine_map<(d0, d1) -> (0)>
#map2 = affine_map<(d0, d1) -> (0, 0, 0)>
module attributes {stable_mosaic.version = 14 : i64} {
  func.func @seg_kernel(%arg0: i32, %arg1: i32, %arg2: memref<10240x128xf32, #tpu.memory_space<hbm>>, %arg3: memref<323584xi32, #tpu.memory_space<hbm>>, %arg4: memref<323584xi32, #tpu.memory_space<hbm>>, %arg5: memref<10240x128xf32, #tpu.memory_space<hbm>>, %arg6: memref<2x10240x128xf32, #tpu.memory_space<hbm>>, %arg7: memref<32x10240xf32, #tpu.memory_space<hbm>>, %arg8: memref<128xi32, #tpu.memory_space<vmem>>, %arg9: memref<128xi32, #tpu.memory_space<vmem>>, %arg10: memref<128xi32, #tpu.memory_space<vmem>>, %arg11: memref<128xi32, #tpu.memory_space<vmem>>, %arg12: memref<128x128xf32, #tpu.memory_space<vmem>>, %arg13: memref<128x128xf32, #tpu.memory_space<vmem>>, %arg14: memref<10240xf32, #tpu.memory_space<vmem>>, %arg15: memref<10240x128xf32, #tpu.memory_space<vmem_shared>>, %arg16: memref<!tpu.dma_semaphore, #tpu.memory_space<semaphore_mem>>, %arg17: memref<!tpu.dma_semaphore, #tpu.memory_space<semaphore_mem>>, %arg18: memref<!tpu.dma_semaphore, #tpu.memory_space<semaphore_mem>>, %arg19: memref<!tpu.dma_semaphore, #tpu.memory_space<semaphore_mem>>) attributes {dimension_semantics = [#tpu.dimension_semantics<core_parallel>, #tpu.dimension_semantics<subcore_parallel>], iteration_bounds = array<i64: 2, 16>, scalar_prefetch = 0 : i64, scratch_operands = 12 : i64, tpu.core_type = #tpu.core_type<sc_vector_subcore>, window_params = [{transform_indices = #map}, {transform_indices = #map1}, {transform_indices = #map1}, {transform_indices = #map}, {transform_indices = #map2}, {transform_indices = #map}]} {
    %mul3A = arith.constant 16 : i32
    %mul3A_0 = arith.muli %arg0, %mul3A : i32
    %add3A = arith.addi %mul3A_0, %arg1 : i32
    %mul3A_1 = arith.constant 640 : i32
    %mul3A_2 = arith.muli %arg1, %mul3A_1 : i32
    %mul3A_3 = arith.constant 640 : i32
    %mul3A_4 = arith.muli %arg1, %mul3A_3 : i32
    "tpu.region"() ({
      %run_scoped3A = tpu.sem_alloc : memref<!tpu.dma_semaphore, #tpu.memory_space<semaphore_mem>>
      %dma_start3A_81 = arith.constant 0 : i32
      %dma_start3A_82 = tpu.memref_slice %arg15[%mul3A_4, %dma_start3A_81] : memref<10240x128xf32, #tpu.memory_space<vmem_shared>> -> memref<640x128xf32, #tpu.memory_space<vmem_shared>>
      %dma_start3A_83 = arith.constant 0 : i32
      %dma_start3A_84 = tpu.memref_slice %arg5[%mul3A_2, %dma_start3A_83] : memref<10240x128xf32, #tpu.memory_space<hbm>> -> memref<640x128xf32, #tpu.memory_space<hbm>>
      tpu.enqueue_dma source(%dma_start3A_84 : memref<640x128xf32, #tpu.memory_space<hbm>>) target(%dma_start3A_82 : memref<640x128xf32, #tpu.memory_space<vmem_shared>>) target_semaphore(%run_scoped3A : memref<!tpu.dma_semaphore, #tpu.memory_space<semaphore_mem>>)
      %dma_wait3A_85 = arith.constant 0 : i32
      %dma_wait3A_86 = tpu.memref_slice %arg15[%mul3A_4, %dma_wait3A_85] : memref<10240x128xf32, #tpu.memory_space<vmem_shared>> -> memref<640x128xf32, #tpu.memory_space<vmem_shared>>
      %dma_wait3A_87 = arith.constant 0 : i32
      %dma_wait3A_88 = tpu.memref_slice %arg5[%mul3A_2, %dma_wait3A_87] : memref<10240x128xf32, #tpu.memory_space<hbm>> -> memref<640x128xf32, #tpu.memory_space<hbm>>
      tpu.wait_dma2 semaphore(%run_scoped3A : memref<!tpu.dma_semaphore, #tpu.memory_space<semaphore_mem>>) src(%dma_wait3A_88 : memref<640x128xf32, #tpu.memory_space<hbm>>) dst(%dma_wait3A_86 : memref<640x128xf32, #tpu.memory_space<vmem_shared>>)
      tpu.yield
    }) : () -> ()
    %broadcast_in_dim3A = arith.constant 0.000000e+00 : f32
    %broadcast_in_dim3A_5 = vector.broadcast %broadcast_in_dim3A : f32 to vector<16xf32>
    %scan3A = arith.constant 0 : i32
    %scan3A_6 = arith.constant 0 : i32
    %scan3A_7 = arith.constant 640 : i32
    %scan3A_8 = arith.addi %scan3A_6, %scan3A_7 : i32
    %scan3A_9 = arith.constant 1 : i32
    scf.for %scan3A_81 = %scan3A_6 to %scan3A_8 step %scan3A_9  : i32 {
      %mul3A_82 = arith.constant 16 : i32
      %mul3A_83 = arith.muli %scan3A_81, %mul3A_82 : i32
      %swap3A = arith.index_cast %mul3A_83 : i32 to index
      %swap3A_84 = tpu.vector_load %arg14[%swap3A] {strides = array<i32>} : memref<10240xf32, #tpu.memory_space<vmem>>, vector<16xf32>,
      tpu.vector_store %arg14[%swap3A], %broadcast_in_dim3A_5 {strides = array<i32>} : memref<10240xf32, #tpu.memory_space<vmem>>, vector<16xf32>,
    }
    %scan3A_10 = arith.constant 640 : i32
    %barrier3A = arith.constant 0 : index
    tpu.barrier barrier_id(%barrier3A)
    %broadcast_in_dim3A_11 = arith.constant 1.000000e+00 : f32
    %broadcast_in_dim3A_12 = vector.broadcast %broadcast_in_dim3A_11 : f32 to vector<16xf32>
    %eq3A = arith.constant 0 : i32
    %eq3A_13 = arith.cmpi eq, %arg0, %eq3A : i32
    %jit3A = arith.constant 80 : i32
    %jit3A_14 = arith.constant 78 : i32
    %select_n3A = arith.select %eq3A_13, %jit3A, %jit3A_14 : i32
    %eq3A_15 = arith.constant 0 : i32
    %eq3A_16 = arith.cmpi eq, %arg0, %eq3A_15 : i32
    %mul3A_17 = arith.constant 80 : i32
    %mul3A_18 = arith.muli %arg1, %mul3A_17 : i32
    %mul3A_19 = arith.constant 78 : i32
    %mul3A_20 = arith.muli %arg1, %mul3A_19 : i32
    %add3A_21 = arith.constant 1280 : i32
    %add3A_22 = arith.addi %add3A_21, %mul3A_20 : i32
    %select_n3A_23 = arith.select %eq3A_16, %mul3A_18, %add3A_22 : i32
    %mul3A_24 = arith.constant 128 : i32
    %mul3A_25 = arith.muli %select_n3A_23, %mul3A_24 : i32
    %sub3A = arith.constant 1 : i32
    %sub3A_26 = arith.subi %select_n3A, %sub3A : i32
    %mul3A_27 = arith.constant 128 : i32
    %mul3A_28 = arith.muli %sub3A_26, %mul3A_27 : i32
    %add3A_29 = arith.addi %mul3A_25, %mul3A_28 : i32
    %add3A_30 = arith.constant 0 : i32
    %add3A_31 = arith.addi %mul3A_25, %add3A_30 : i32
    %dma_start3A = tpu.memref_slice %arg3[%add3A_31] : memref<323584xi32, #tpu.memory_space<hbm>> -> memref<128xi32, #tpu.memory_space<hbm>>
    %dma_start3A_32 = tpu.memref_slice %arg3[%add3A_31] : memref<323584xi32, #tpu.memory_space<hbm>> -> memref<128xi32, #tpu.memory_space<hbm>>
    tpu.enqueue_dma source(%dma_start3A_32 : memref<128xi32, #tpu.memory_space<hbm>>) target(%arg8 : memref<128xi32, #tpu.memory_space<vmem>>) target_semaphore(%arg18 : memref<!tpu.dma_semaphore, #tpu.memory_space<semaphore_mem>>)
    %dma_start3A_33 = tpu.memref_slice %arg4[%add3A_31] : memref<323584xi32, #tpu.memory_space<hbm>> -> memref<128xi32, #tpu.memory_space<hbm>>
    %dma_start3A_34 = tpu.memref_slice %arg4[%add3A_31] : memref<323584xi32, #tpu.memory_space<hbm>> -> memref<128xi32, #tpu.memory_space<hbm>>
    tpu.enqueue_dma source(%dma_start3A_34 : memref<128xi32, #tpu.memory_space<hbm>>) target(%arg10 : memref<128xi32, #tpu.memory_space<vmem>>) target_semaphore(%arg18 : memref<!tpu.dma_semaphore, #tpu.memory_space<semaphore_mem>>)
    %add3A_35 = arith.constant 128 : i32
    %add3A_36 = arith.addi %mul3A_25, %add3A_35 : i32
    %dma_start3A_37 = tpu.memref_slice %arg3[%add3A_36] : memref<323584xi32, #tpu.memory_space<hbm>> -> memref<128xi32, #tpu.memory_space<hbm>>
    %dma_start3A_38 = tpu.memref_slice %arg3[%add3A_36] : memref<323584xi32, #tpu.memory_space<hbm>> -> memref<128xi32, #tpu.memory_space<hbm>>
    tpu.enqueue_dma source(%dma_start3A_38 : memref<128xi32, #tpu.memory_space<hbm>>) target(%arg9 : memref<128xi32, #tpu.memory_space<vmem>>) target_semaphore(%arg19 : memref<!tpu.dma_semaphore, #tpu.memory_space<semaphore_mem>>)
    %dma_start3A_39 = tpu.memref_slice %arg4[%add3A_36] : memref<323584xi32, #tpu.memory_space<hbm>> -> memref<128xi32, #tpu.memory_space<hbm>>
    %dma_start3A_40 = tpu.memref_slice %arg4[%add3A_36] : memref<323584xi32, #tpu.memory_space<hbm>> -> memref<128xi32, #tpu.memory_space<hbm>>
    tpu.enqueue_dma source(%dma_start3A_40 : memref<128xi32, #tpu.memory_space<hbm>>) target(%arg11 : memref<128xi32, #tpu.memory_space<vmem>>) target_semaphore(%arg19 : memref<!tpu.dma_semaphore, #tpu.memory_space<semaphore_mem>>)
    %jit3A_41 = arith.constant 2 : i32
    %div3A = arith.divsi %select_n3A, %jit3A_41 : i32
    %sign3A = arith.constant 0 : i32
    %sign3A_42 = arith.cmpi sgt, %select_n3A, %sign3A : i32
    %sign3A_43 = arith.extui %sign3A_42 : i1 to i32
    %sign3A_44 = arith.constant 0 : i32
    %sign3A_45 = arith.cmpi slt, %select_n3A, %sign3A_44 : i32
    %sign3A_46 = arith.extui %sign3A_45 : i1 to i32
    %sign3A_47 = arith.subi %sign3A_43, %sign3A_46 : i32
    %sign3A_48 = arith.constant 0 : i32
    %sign3A_49 = arith.cmpi sgt, %jit3A_41, %sign3A_48 : i32
    %sign3A_50 = arith.extui %sign3A_49 : i1 to i32
    %sign3A_51 = arith.constant 0 : i32
    %sign3A_52 = arith.cmpi slt, %jit3A_41, %sign3A_51 : i32
    %sign3A_53 = arith.extui %sign3A_52 : i1 to i32
    %sign3A_54 = arith.subi %sign3A_50, %sign3A_53 : i32
    %ne3A = arith.cmpi ne, %sign3A_47, %sign3A_54 : i32
    %rem3A = arith.remsi %select_n3A, %jit3A_41 : i32
    %ne3A_55 = arith.constant 0 : i32
    %ne3A_56 = arith.cmpi ne, %rem3A, %ne3A_55 : i32
    %and3A = arith.andi %ne3A, %ne3A_56 : i1
    %sub3A_57 = arith.constant 1 : i32
    %sub3A_58 = arith.subi %div3A, %sub3A_57 : i32
    %select_n3A_59 = arith.select %and3A, %sub3A_58, %div3A : i32
    %while3A = arith.constant 0 : i32
    %while3A_60 = arith.constant 0 : i32
    %while3A_61 = arith.subi %select_n3A_59, %while3A_60 : i32
    %while3A_62 = arith.addi %while3A_60, %while3A_61 : i32
    %while3A_63 = arith.constant 1 : i32
    %while3A_64 = arith.divsi %while3A_61, %while3A_63 : i32
    %while3A_65 = arith.muli %while3A_64, %while3A_63 : i32
    %while3A_66 = arith.addi %while3A_60, %while3A_65 : i32
    %while3A_67 = arith.constant 1 : i32
    scf.for %while3A_81 = %while3A_60 to %while3A_66 step %while3A_67  : i32 {
      %mul3A_82 = arith.constant 2 : i32
      %mul3A_83 = arith.muli %mul3A_82, %while3A_81 : i32
      %mul3A_84 = arith.constant 128 : i32
      %mul3A_85 = arith.muli %mul3A_83, %mul3A_84 : i32
      %add3A_86 = arith.addi %mul3A_25, %mul3A_85 : i32
      %add3A_87 = arith.constant 1 : i32
      %add3A_88 = arith.addi %mul3A_83, %add3A_87 : i32
      %mul3A_89 = arith.constant 128 : i32
      %mul3A_90 = arith.muli %add3A_88, %mul3A_89 : i32
      %add3A_91 = arith.addi %mul3A_25, %mul3A_90 : i32
      %dma_wait3A_92 = tpu.memref_slice %arg3[%add3A_86] : memref<323584xi32, #tpu.memory_space<hbm>> -> memref<128xi32, #tpu.memory_space<hbm>>
      %dma_wait3A_93 = tpu.memref_slice %arg3[%add3A_86] : memref<323584xi32, #tpu.memory_space<hbm>> -> memref<128xi32, #tpu.memory_space<hbm>>
      tpu.wait_dma2 semaphore(%arg18 : memref<!tpu.dma_semaphore, #tpu.memory_space<semaphore_mem>>) src(%dma_wait3A_93 : memref<128xi32, #tpu.memory_space<hbm>>) dst(%arg8 : memref<128xi32, #tpu.memory_space<vmem>>)
      %dma_wait3A_94 = tpu.memref_slice %arg4[%add3A_86] : memref<323584xi32, #tpu.memory_space<hbm>> -> memref<128xi32, #tpu.memory_space<hbm>>
      %dma_wait3A_95 = tpu.memref_slice %arg4[%add3A_86] : memref<323584xi32, #tpu.memory_space<hbm>> -> memref<128xi32, #tpu.memory_space<hbm>>
      tpu.wait_dma2 semaphore(%arg18 : memref<!tpu.dma_semaphore, #tpu.memory_space<semaphore_mem>>) src(%dma_wait3A_95 : memref<128xi32, #tpu.memory_space<hbm>>) dst(%arg10 : memref<128xi32, #tpu.memory_space<vmem>>)
      %dma_start3A_96 = arith.constant 0 : i32
      %dma_start3A_97 = arith.constant 0 : i32
      %dma_start3A_98 = tpu.memref_slice %arg2[%dma_start3A_96, %dma_start3A_97] : memref<10240x128xf32, #tpu.memory_space<hbm>> -> memref<10240x128xf32, #tpu.memory_space<hbm>>
      tpu.enqueue_indirect_dma source(%dma_start3A_98 : memref<10240x128xf32, #tpu.memory_space<hbm>>) target(%arg12 : memref<128x128xf32, #tpu.memory_space<vmem>>) offsets(%arg8 : memref<128xi32, #tpu.memory_space<vmem>>) semaphore(%arg16 : memref<!tpu.dma_semaphore, #tpu.memory_space<semaphore_mem>>)
      %get3A = arith.constant 0 : index
      %get3A_99 = tpu.vector_load %arg10[%get3A] {strides = array<i32>} : memref<128xi32, #tpu.memory_space<vmem>>, vector<16xi32>,
      tpu.vector_store_idx %arg14[%get3A_99], %broadcast_in_dim3A_12 {add = true} : memref<10240xf32, #tpu.memory_space<vmem>>[vector<16xi32>], vector<16xf32>,
      %get3A_100 = arith.constant 16 : index
      %get3A_101 = tpu.vector_load %arg10[%get3A_100] {strides = array<i32>} : memref<128xi32, #tpu.memory_space<vmem>>, vector<16xi32>,
      tpu.vector_store_idx %arg14[%get3A_101], %broadcast_in_dim3A_12 {add = true} : memref<10240xf32, #tpu.memory_space<vmem>>[vector<16xi32>], vector<16xf32>,
      %get3A_102 = arith.constant 32 : index
      %get3A_103 = tpu.vector_load %arg10[%get3A_102] {strides = array<i32>} : memref<128xi32, #tpu.memory_space<vmem>>, vector<16xi32>,
      tpu.vector_store_idx %arg14[%get3A_103], %broadcast_in_dim3A_12 {add = true} : memref<10240xf32, #tpu.memory_space<vmem>>[vector<16xi32>], vector<16xf32>,
      %get3A_104 = arith.constant 48 : index
      %get3A_105 = tpu.vector_load %arg10[%get3A_104] {strides = array<i32>} : memref<128xi32, #tpu.memory_space<vmem>>, vector<16xi32>,
      tpu.vector_store_idx %arg14[%get3A_105], %broadcast_in_dim3A_12 {add = true} : memref<10240xf32, #tpu.memory_space<vmem>>[vector<16xi32>], vector<16xf32>,
      %get3A_106 = arith.constant 64 : index
      %get3A_107 = tpu.vector_load %arg10[%get3A_106] {strides = array<i32>} : memref<128xi32, #tpu.memory_space<vmem>>, vector<16xi32>,
      tpu.vector_store_idx %arg14[%get3A_107], %broadcast_in_dim3A_12 {add = true} : memref<10240xf32, #tpu.memory_space<vmem>>[vector<16xi32>], vector<16xf32>,
      %get3A_108 = arith.constant 80 : index
      %get3A_109 = tpu.vector_load %arg10[%get3A_108] {strides = array<i32>} : memref<128xi32, #tpu.memory_space<vmem>>, vector<16xi32>,
      tpu.vector_store_idx %arg14[%get3A_109], %broadcast_in_dim3A_12 {add = true} : memref<10240xf32, #tpu.memory_space<vmem>>[vector<16xi32>], vector<16xf32>,
      %get3A_110 = arith.constant 96 : index
      %get3A_111 = tpu.vector_load %arg10[%get3A_110] {strides = array<i32>} : memref<128xi32, #tpu.memory_space<vmem>>, vector<16xi32>,
      tpu.vector_store_idx %arg14[%get3A_111], %broadcast_in_dim3A_12 {add = true} : memref<10240xf32, #tpu.memory_space<vmem>>[vector<16xi32>], vector<16xf32>,
      %get3A_112 = arith.constant 112 : index
      %get3A_113 = tpu.vector_load %arg10[%get3A_112] {strides = array<i32>} : memref<128xi32, #tpu.memory_space<vmem>>, vector<16xi32>,
      tpu.vector_store_idx %arg14[%get3A_113], %broadcast_in_dim3A_12 {add = true} : memref<10240xf32, #tpu.memory_space<vmem>>[vector<16xi32>], vector<16xf32>,
      %dma_wait3A_114 = tpu.memref_slice %arg3[%add3A_91] : memref<323584xi32, #tpu.memory_space<hbm>> -> memref<128xi32, #tpu.memory_space<hbm>>
      %dma_wait3A_115 = tpu.memref_slice %arg3[%add3A_91] : memref<323584xi32, #tpu.memory_space<hbm>> -> memref<128xi32, #tpu.memory_space<hbm>>
      tpu.wait_dma2 semaphore(%arg19 : memref<!tpu.dma_semaphore, #tpu.memory_space<semaphore_mem>>) src(%dma_wait3A_115 : memref<128xi32, #tpu.memory_space<hbm>>) dst(%arg9 : memref<128xi32, #tpu.memory_space<vmem>>)
      %dma_wait3A_116 = tpu.memref_slice %arg4[%add3A_91] : memref<323584xi32, #tpu.memory_space<hbm>> -> memref<128xi32, #tpu.memory_space<hbm>>
      %dma_wait3A_117 = tpu.memref_slice %arg4[%add3A_91] : memref<323584xi32, #tpu.memory_space<hbm>> -> memref<128xi32, #tpu.memory_space<hbm>>
      tpu.wait_dma2 semaphore(%arg19 : memref<!tpu.dma_semaphore, #tpu.memory_space<semaphore_mem>>) src(%dma_wait3A_117 : memref<128xi32, #tpu.memory_space<hbm>>) dst(%arg11 : memref<128xi32, #tpu.memory_space<vmem>>)
      %dma_wait3A_118 = arith.constant 0 : i32
      %dma_wait3A_119 = arith.constant 0 : i32
      %dma_wait3A_120 = tpu.memref_slice %arg2[%dma_wait3A_118, %dma_wait3A_119] : memref<10240x128xf32, #tpu.memory_space<hbm>> -> memref<10240x128xf32, #tpu.memory_space<hbm>>
      tpu.wait_indirect_dma semaphore(%arg16 : memref<!tpu.dma_semaphore, #tpu.memory_space<semaphore_mem>>) src(%dma_wait3A_120 : memref<10240x128xf32, #tpu.memory_space<hbm>>) dst(%arg12 : memref<128x128xf32, #tpu.memory_space<vmem>>)
      %dma_start3A_121 = arith.constant 0 : i32
      %dma_start3A_122 = arith.constant 0 : i32
      %dma_start3A_123 = tpu.memref_slice %arg2[%dma_start3A_121, %dma_start3A_122] : memref<10240x128xf32, #tpu.memory_space<hbm>> -> memref<10240x128xf32, #tpu.memory_space<hbm>>
      tpu.enqueue_indirect_dma source(%dma_start3A_123 : memref<10240x128xf32, #tpu.memory_space<hbm>>) target(%arg13 : memref<128x128xf32, #tpu.memory_space<vmem>>) offsets(%arg9 : memref<128xi32, #tpu.memory_space<vmem>>) semaphore(%arg17 : memref<!tpu.dma_semaphore, #tpu.memory_space<semaphore_mem>>)
      "tpu.region"() ({
        %run_scoped3A = tpu.sem_alloc : memref<!tpu.dma_semaphore, #tpu.memory_space<semaphore_mem>>
        %dma_start3A_166 = arith.constant 0 : i32
        %dma_start3A_167 = arith.constant 0 : i32
        %dma_start3A_168 = tpu.memref_slice %arg15[%dma_start3A_166, %dma_start3A_167] : memref<10240x128xf32, #tpu.memory_space<vmem_shared>> -> memref<10240x128xf32, #tpu.memory_space<vmem_shared>>
        tpu.enqueue_indirect_dma source(%arg12 : memref<128x128xf32, #tpu.memory_space<vmem>>) target(%dma_start3A_168 : memref<10240x128xf32, #tpu.memory_space<vmem_shared>>) offsets(%arg10 : memref<128xi32, #tpu.memory_space<vmem>>) semaphore(%run_scoped3A : memref<!tpu.dma_semaphore, #tpu.memory_space<semaphore_mem>>) {add = true}
        %dma_wait3A_169 = arith.constant 0 : i32
        %dma_wait3A_170 = arith.constant 0 : i32
        %dma_wait3A_171 = tpu.memref_slice %arg15[%dma_wait3A_169, %dma_wait3A_170] : memref<10240x128xf32, #tpu.memory_space<vmem_shared>> -> memref<10240x128xf32, #tpu.memory_space<vmem_shared>>
        tpu.wait_indirect_dma semaphore(%run_scoped3A : memref<!tpu.dma_semaphore, #tpu.memory_space<semaphore_mem>>) src(%arg12 : memref<128x128xf32, #tpu.memory_space<vmem>>) dst(%dma_wait3A_171 : memref<10240x128xf32, #tpu.memory_space<vmem_shared>>)
        tpu.yield
      }) : () -> ()
      %add3A_124 = arith.constant 2 : i32
      %add3A_125 = arith.addi %mul3A_83, %add3A_124 : i32
      %sub3A_126 = arith.constant 1 : i32
      %sub3A_127 = arith.subi %select_n3A, %sub3A_126 : i32
      %min3A = arith.minsi %add3A_125, %sub3A_127 : i32
      %mul3A_128 = arith.constant 128 : i32
      %mul3A_129 = arith.muli %min3A, %mul3A_128 : i32
      %add3A_130 = arith.addi %mul3A_25, %mul3A_129 : i32
      %dma_start3A_131 = tpu.memref_slice %arg3[%add3A_130] : memref<323584xi32, #tpu.memory_space<hbm>> -> memref<128xi32, #tpu.memory_space<hbm>>
      %dma_start3A_132 = tpu.memref_slice %arg3[%add3A_130] : memref<323584xi32, #tpu.memory_space<hbm>> -> memref<128xi32, #tpu.memory_space<hbm>>
      tpu.enqueue_dma source(%dma_start3A_132 : memref<128xi32, #tpu.memory_space<hbm>>) target(%arg8 : memref<128xi32, #tpu.memory_space<vmem>>) target_semaphore(%arg18 : memref<!tpu.dma_semaphore, #tpu.memory_space<semaphore_mem>>)
      %dma_start3A_133 = tpu.memref_slice %arg4[%add3A_130] : memref<323584xi32, #tpu.memory_space<hbm>> -> memref<128xi32, #tpu.memory_space<hbm>>
      %dma_start3A_134 = tpu.memref_slice %arg4[%add3A_130] : memref<323584xi32, #tpu.memory_space<hbm>> -> memref<128xi32, #tpu.memory_space<hbm>>
      tpu.enqueue_dma source(%dma_start3A_134 : memref<128xi32, #tpu.memory_space<hbm>>) target(%arg10 : memref<128xi32, #tpu.memory_space<vmem>>) target_semaphore(%arg18 : memref<!tpu.dma_semaphore, #tpu.memory_space<semaphore_mem>>)
      %get3A_135 = arith.constant 0 : index
      %get3A_136 = tpu.vector_load %arg11[%get3A_135] {strides = array<i32>} : memref<128xi32, #tpu.memory_space<vmem>>, vector<16xi32>,
      tpu.vector_store_idx %arg14[%get3A_136], %broadcast_in_dim3A_12 {add = true} : memref<10240xf32, #tpu.memory_space<vmem>>[vector<16xi32>], vector<16xf32>,
      %get3A_137 = arith.constant 16 : index
      %get3A_138 = tpu.vector_load %arg11[%get3A_137] {strides = array<i32>} : memref<128xi32, #tpu.memory_space<vmem>>, vector<16xi32>,
      tpu.vector_store_idx %arg14[%get3A_138], %broadcast_in_dim3A_12 {add = true} : memref<10240xf32, #tpu.memory_space<vmem>>[vector<16xi32>], vector<16xf32>,
      %get3A_139 = arith.constant 32 : index
      %get3A_140 = tpu.vector_load %arg11[%get3A_139] {strides = array<i32>} : memref<128xi32, #tpu.memory_space<vmem>>, vector<16xi32>,
      tpu.vector_store_idx %arg14[%get3A_140], %broadcast_in_dim3A_12 {add = true} : memref<10240xf32, #tpu.memory_space<vmem>>[vector<16xi32>], vector<16xf32>,
      %get3A_141 = arith.constant 48 : index
      %get3A_142 = tpu.vector_load %arg11[%get3A_141] {strides = array<i32>} : memref<128xi32, #tpu.memory_space<vmem>>, vector<16xi32>,
      tpu.vector_store_idx %arg14[%get3A_142], %broadcast_in_dim3A_12 {add = true} : memref<10240xf32, #tpu.memory_space<vmem>>[vector<16xi32>], vector<16xf32>,
      %get3A_143 = arith.constant 64 : index
      %get3A_144 = tpu.vector_load %arg11[%get3A_143] {strides = array<i32>} : memref<128xi32, #tpu.memory_space<vmem>>, vector<16xi32>,
      tpu.vector_store_idx %arg14[%get3A_144], %broadcast_in_dim3A_12 {add = true} : memref<10240xf32, #tpu.memory_space<vmem>>[vector<16xi32>], vector<16xf32>,
      %get3A_145 = arith.constant 80 : index
      %get3A_146 = tpu.vector_load %arg11[%get3A_145] {strides = array<i32>} : memref<128xi32, #tpu.memory_space<vmem>>, vector<16xi32>,
      tpu.vector_store_idx %arg14[%get3A_146], %broadcast_in_dim3A_12 {add = true} : memref<10240xf32, #tpu.memory_space<vmem>>[vector<16xi32>], vector<16xf32>,
      %get3A_147 = arith.constant 96 : index
      %get3A_148 = tpu.vector_load %arg11[%get3A_147] {strides = array<i32>} : memref<128xi32, #tpu.memory_space<vmem>>, vector<16xi32>,
      tpu.vector_store_idx %arg14[%get3A_148], %broadcast_in_dim3A_12 {add = true} : memref<10240xf32, #tpu.memory_space<vmem>>[vector<16xi32>], vector<16xf32>,
      %get3A_149 = arith.constant 112 : index
      %get3A_150 = tpu.vector_load %arg11[%get3A_149] {strides = array<i32>} : memref<128xi32, #tpu.memory_space<vmem>>, vector<16xi32>,
      tpu.vector_store_idx %arg14[%get3A_150], %broadcast_in_dim3A_12 {add = true} : memref<10240xf32, #tpu.memory_space<vmem>>[vector<16xi32>], vector<16xf32>,
      %dma_wait3A_151 = arith.constant 0 : i32
      %dma_wait3A_152 = arith.constant 0 : i32
      %dma_wait3A_153 = tpu.memref_slice %arg2[%dma_wait3A_151, %dma_wait3A_152] : memref<10240x128xf32, #tpu.memory_space<hbm>> -> memref<10240x128xf32, #tpu.memory_space<hbm>>
      tpu.wait_indirect_dma semaphore(%arg17 : memref<!tpu.dma_semaphore, #tpu.memory_space<semaphore_mem>>) src(%dma_wait3A_153 : memref<10240x128xf32, #tpu.memory_space<hbm>>) dst(%arg13 : memref<128x128xf32, #tpu.memory_space<vmem>>)
      "tpu.region"() ({
        %run_scoped3A = tpu.sem_alloc : memref<!tpu.dma_semaphore, #tpu.memory_space<semaphore_mem>>
        %dma_start3A_166 = arith.constant 0 : i32
        %dma_start3A_167 = arith.constant 0 : i32
        %dma_start3A_168 = tpu.memref_slice %arg15[%dma_start3A_166, %dma_start3A_167] : memref<10240x128xf32, #tpu.memory_space<vmem_shared>> -> memref<10240x128xf32, #tpu.memory_space<vmem_shared>>
        tpu.enqueue_indirect_dma source(%arg13 : memref<128x128xf32, #tpu.memory_space<vmem>>) target(%dma_start3A_168 : memref<10240x128xf32, #tpu.memory_space<vmem_shared>>) offsets(%arg11 : memref<128xi32, #tpu.memory_space<vmem>>) semaphore(%run_scoped3A : memref<!tpu.dma_semaphore, #tpu.memory_space<semaphore_mem>>) {add = true}
        %dma_wait3A_169 = arith.constant 0 : i32
        %dma_wait3A_170 = arith.constant 0 : i32
        %dma_wait3A_171 = tpu.memref_slice %arg15[%dma_wait3A_169, %dma_wait3A_170] : memref<10240x128xf32, #tpu.memory_space<vmem_shared>> -> memref<10240x128xf32, #tpu.memory_space<vmem_shared>>
        tpu.wait_indirect_dma semaphore(%run_scoped3A : memref<!tpu.dma_semaphore, #tpu.memory_space<semaphore_mem>>) src(%arg13 : memref<128x128xf32, #tpu.memory_space<vmem>>) dst(%dma_wait3A_171 : memref<10240x128xf32, #tpu.memory_space<vmem_shared>>)
        tpu.yield
      }) : () -> ()
      %add3A_154 = arith.constant 3 : i32
      %add3A_155 = arith.addi %mul3A_83, %add3A_154 : i32
      %sub3A_156 = arith.constant 1 : i32
      %sub3A_157 = arith.subi %select_n3A, %sub3A_156 : i32
      %min3A_158 = arith.minsi %add3A_155, %sub3A_157 : i32
      %mul3A_159 = arith.constant 128 : i32
      %mul3A_160 = arith.muli %min3A_158, %mul3A_159 : i32
      %add3A_161 = arith.addi %mul3A_25, %mul3A_160 : i32
      %dma_start3A_162 = tpu.memref_slice %arg3[%add3A_161] : memref<323584xi32, #tpu.memory_space<hbm>> -> memref<128xi32, #tpu.memory_space<hbm>>
      %dma_start3A_163 = tpu.memref_slice %arg3[%add3A_161] : memref<323584xi32, #tpu.memory_space<hbm>> -> memref<128xi32, #tpu.memory_space<hbm>>
      tpu.enqueue_dma source(%dma_start3A_163 : memref<128xi32, #tpu.memory_space<hbm>>) target(%arg9 : memref<128xi32, #tpu.memory_space<vmem>>) target_semaphore(%arg19 : memref<!tpu.dma_semaphore, #tpu.memory_space<semaphore_mem>>)
      %dma_start3A_164 = tpu.memref_slice %arg4[%add3A_161] : memref<323584xi32, #tpu.memory_space<hbm>> -> memref<128xi32, #tpu.memory_space<hbm>>
      %dma_start3A_165 = tpu.memref_slice %arg4[%add3A_161] : memref<323584xi32, #tpu.memory_space<hbm>> -> memref<128xi32, #tpu.memory_space<hbm>>
      tpu.enqueue_dma source(%dma_start3A_165 : memref<128xi32, #tpu.memory_space<hbm>>) target(%arg11 : memref<128xi32, #tpu.memory_space<vmem>>) target_semaphore(%arg19 : memref<!tpu.dma_semaphore, #tpu.memory_space<semaphore_mem>>)
    }
    %while3A_68 = arith.constant 1 : i32
    scf.for %while3A_81 = %while3A_66 to %while3A_62 step %while3A_68  : i32 {
      %mul3A_82 = arith.constant 2 : i32
      %mul3A_83 = arith.muli %mul3A_82, %while3A_81 : i32
      %mul3A_84 = arith.constant 128 : i32
      %mul3A_85 = arith.muli %mul3A_83, %mul3A_84 : i32
      %add3A_86 = arith.addi %mul3A_25, %mul3A_85 : i32
      %add3A_87 = arith.constant 1 : i32
      %add3A_88 = arith.addi %mul3A_83, %add3A_87 : i32
      %mul3A_89 = arith.constant 128 : i32
      %mul3A_90 = arith.muli %add3A_88, %mul3A_89 : i32
      %add3A_91 = arith.addi %mul3A_25, %mul3A_90 : i32
      %dma_wait3A_92 = tpu.memref_slice %arg3[%add3A_86] : memref<323584xi32, #tpu.memory_space<hbm>> -> memref<128xi32, #tpu.memory_space<hbm>>
      %dma_wait3A_93 = tpu.memref_slice %arg3[%add3A_86] : memref<323584xi32, #tpu.memory_space<hbm>> -> memref<128xi32, #tpu.memory_space<hbm>>
      tpu.wait_dma2 semaphore(%arg18 : memref<!tpu.dma_semaphore, #tpu.memory_space<semaphore_mem>>) src(%dma_wait3A_93 : memref<128xi32, #tpu.memory_space<hbm>>) dst(%arg8 : memref<128xi32, #tpu.memory_space<vmem>>)
      %dma_wait3A_94 = tpu.memref_slice %arg4[%add3A_86] : memref<323584xi32, #tpu.memory_space<hbm>> -> memref<128xi32, #tpu.memory_space<hbm>>
      %dma_wait3A_95 = tpu.memref_slice %arg4[%add3A_86] : memref<323584xi32, #tpu.memory_space<hbm>> -> memref<128xi32, #tpu.memory_space<hbm>>
      tpu.wait_dma2 semaphore(%arg18 : memref<!tpu.dma_semaphore, #tpu.memory_space<semaphore_mem>>) src(%dma_wait3A_95 : memref<128xi32, #tpu.memory_space<hbm>>) dst(%arg10 : memref<128xi32, #tpu.memory_space<vmem>>)
      %dma_start3A_96 = arith.constant 0 : i32
      %dma_start3A_97 = arith.constant 0 : i32
      %dma_start3A_98 = tpu.memref_slice %arg2[%dma_start3A_96, %dma_start3A_97] : memref<10240x128xf32, #tpu.memory_space<hbm>> -> memref<10240x128xf32, #tpu.memory_space<hbm>>
      tpu.enqueue_indirect_dma source(%dma_start3A_98 : memref<10240x128xf32, #tpu.memory_space<hbm>>) target(%arg12 : memref<128x128xf32, #tpu.memory_space<vmem>>) offsets(%arg8 : memref<128xi32, #tpu.memory_space<vmem>>) semaphore(%arg16 : memref<!tpu.dma_semaphore, #tpu.memory_space<semaphore_mem>>)
      %get3A = arith.constant 0 : index
      %get3A_99 = tpu.vector_load %arg10[%get3A] {strides = array<i32>} : memref<128xi32, #tpu.memory_space<vmem>>, vector<16xi32>,
      tpu.vector_store_idx %arg14[%get3A_99], %broadcast_in_dim3A_12 {add = true} : memref<10240xf32, #tpu.memory_space<vmem>>[vector<16xi32>], vector<16xf32>,
      %get3A_100 = arith.constant 16 : index
      %get3A_101 = tpu.vector_load %arg10[%get3A_100] {strides = array<i32>} : memref<128xi32, #tpu.memory_space<vmem>>, vector<16xi32>,
      tpu.vector_store_idx %arg14[%get3A_101], %broadcast_in_dim3A_12 {add = true} : memref<10240xf32, #tpu.memory_space<vmem>>[vector<16xi32>], vector<16xf32>,
      %get3A_102 = arith.constant 32 : index
      %get3A_103 = tpu.vector_load %arg10[%get3A_102] {strides = array<i32>} : memref<128xi32, #tpu.memory_space<vmem>>, vector<16xi32>,
      tpu.vector_store_idx %arg14[%get3A_103], %broadcast_in_dim3A_12 {add = true} : memref<10240xf32, #tpu.memory_space<vmem>>[vector<16xi32>], vector<16xf32>,
      %get3A_104 = arith.constant 48 : index
      %get3A_105 = tpu.vector_load %arg10[%get3A_104] {strides = array<i32>} : memref<128xi32, #tpu.memory_space<vmem>>, vector<16xi32>,
      tpu.vector_store_idx %arg14[%get3A_105], %broadcast_in_dim3A_12 {add = true} : memref<10240xf32, #tpu.memory_space<vmem>>[vector<16xi32>], vector<16xf32>,
      %get3A_106 = arith.constant 64 : index
      %get3A_107 = tpu.vector_load %arg10[%get3A_106] {strides = array<i32>} : memref<128xi32, #tpu.memory_space<vmem>>, vector<16xi32>,
      tpu.vector_store_idx %arg14[%get3A_107], %broadcast_in_dim3A_12 {add = true} : memref<10240xf32, #tpu.memory_space<vmem>>[vector<16xi32>], vector<16xf32>,
      %get3A_108 = arith.constant 80 : index
      %get3A_109 = tpu.vector_load %arg10[%get3A_108] {strides = array<i32>} : memref<128xi32, #tpu.memory_space<vmem>>, vector<16xi32>,
      tpu.vector_store_idx %arg14[%get3A_109], %broadcast_in_dim3A_12 {add = true} : memref<10240xf32, #tpu.memory_space<vmem>>[vector<16xi32>], vector<16xf32>,
      %get3A_110 = arith.constant 96 : index
      %get3A_111 = tpu.vector_load %arg10[%get3A_110] {strides = array<i32>} : memref<128xi32, #tpu.memory_space<vmem>>, vector<16xi32>,
      tpu.vector_store_idx %arg14[%get3A_111], %broadcast_in_dim3A_12 {add = true} : memref<10240xf32, #tpu.memory_space<vmem>>[vector<16xi32>], vector<16xf32>,
      %get3A_112 = arith.constant 112 : index
      %get3A_113 = tpu.vector_load %arg10[%get3A_112] {strides = array<i32>} : memref<128xi32, #tpu.memory_space<vmem>>, vector<16xi32>,
      tpu.vector_store_idx %arg14[%get3A_113], %broadcast_in_dim3A_12 {add = true} : memref<10240xf32, #tpu.memory_space<vmem>>[vector<16xi32>], vector<16xf32>,
      %dma_wait3A_114 = tpu.memref_slice %arg3[%add3A_91] : memref<323584xi32, #tpu.memory_space<hbm>> -> memref<128xi32, #tpu.memory_space<hbm>>
      %dma_wait3A_115 = tpu.memref_slice %arg3[%add3A_91] : memref<323584xi32, #tpu.memory_space<hbm>> -> memref<128xi32, #tpu.memory_space<hbm>>
      tpu.wait_dma2 semaphore(%arg19 : memref<!tpu.dma_semaphore, #tpu.memory_space<semaphore_mem>>) src(%dma_wait3A_115 : memref<128xi32, #tpu.memory_space<hbm>>) dst(%arg9 : memref<128xi32, #tpu.memory_space<vmem>>)
      %dma_wait3A_116 = tpu.memref_slice %arg4[%add3A_91] : memref<323584xi32, #tpu.memory_space<hbm>> -> memref<128xi32, #tpu.memory_space<hbm>>
      %dma_wait3A_117 = tpu.memref_slice %arg4[%add3A_91] : memref<323584xi32, #tpu.memory_space<hbm>> -> memref<128xi32, #tpu.memory_space<hbm>>
      tpu.wait_dma2 semaphore(%arg19 : memref<!tpu.dma_semaphore, #tpu.memory_space<semaphore_mem>>) src(%dma_wait3A_117 : memref<128xi32, #tpu.memory_space<hbm>>) dst(%arg11 : memref<128xi32, #tpu.memory_space<vmem>>)
      %dma_wait3A_118 = arith.constant 0 : i32
      %dma_wait3A_119 = arith.constant 0 : i32
      %dma_wait3A_120 = tpu.memref_slice %arg2[%dma_wait3A_118, %dma_wait3A_119] : memref<10240x128xf32, #tpu.memory_space<hbm>> -> memref<10240x128xf32, #tpu.memory_space<hbm>>
      tpu.wait_indirect_dma semaphore(%arg16 : memref<!tpu.dma_semaphore, #tpu.memory_space<semaphore_mem>>) src(%dma_wait3A_120 : memref<10240x128xf32, #tpu.memory_space<hbm>>) dst(%arg12 : memref<128x128xf32, #tpu.memory_space<vmem>>)
      %dma_start3A_121 = arith.constant 0 : i32
      %dma_start3A_122 = arith.constant 0 : i32
      %dma_start3A_123 = tpu.memref_slice %arg2[%dma_start3A_121, %dma_start3A_122] : memref<10240x128xf32, #tpu.memory_space<hbm>> -> memref<10240x128xf32, #tpu.memory_space<hbm>>
      tpu.enqueue_indirect_dma source(%dma_start3A_123 : memref<10240x128xf32, #tpu.memory_space<hbm>>) target(%arg13 : memref<128x128xf32, #tpu.memory_space<vmem>>) offsets(%arg9 : memref<128xi32, #tpu.memory_space<vmem>>) semaphore(%arg17 : memref<!tpu.dma_semaphore, #tpu.memory_space<semaphore_mem>>)
      "tpu.region"() ({
        %run_scoped3A = tpu.sem_alloc : memref<!tpu.dma_semaphore, #tpu.memory_space<semaphore_mem>>
        %dma_start3A_166 = arith.constant 0 : i32
        %dma_start3A_167 = arith.constant 0 : i32
        %dma_start3A_168 = tpu.memref_slice %arg15[%dma_start3A_166, %dma_start3A_167] : memref<10240x128xf32, #tpu.memory_space<vmem_shared>> -> memref<10240x128xf32, #tpu.memory_space<vmem_shared>>
        tpu.enqueue_indirect_dma source(%arg12 : memref<128x128xf32, #tpu.memory_space<vmem>>) target(%dma_start3A_168 : memref<10240x128xf32, #tpu.memory_space<vmem_shared>>) offsets(%arg10 : memref<128xi32, #tpu.memory_space<vmem>>) semaphore(%run_scoped3A : memref<!tpu.dma_semaphore, #tpu.memory_space<semaphore_mem>>) {add = true}
        %dma_wait3A_169 = arith.constant 0 : i32
        %dma_wait3A_170 = arith.constant 0 : i32
        %dma_wait3A_171 = tpu.memref_slice %arg15[%dma_wait3A_169, %dma_wait3A_170] : memref<10240x128xf32, #tpu.memory_space<vmem_shared>> -> memref<10240x128xf32, #tpu.memory_space<vmem_shared>>
        tpu.wait_indirect_dma semaphore(%run_scoped3A : memref<!tpu.dma_semaphore, #tpu.memory_space<semaphore_mem>>) src(%arg12 : memref<128x128xf32, #tpu.memory_space<vmem>>) dst(%dma_wait3A_171 : memref<10240x128xf32, #tpu.memory_space<vmem_shared>>)
        tpu.yield
      }) : () -> ()
      %add3A_124 = arith.constant 2 : i32
      %add3A_125 = arith.addi %mul3A_83, %add3A_124 : i32
      %sub3A_126 = arith.constant 1 : i32
      %sub3A_127 = arith.subi %select_n3A, %sub3A_126 : i32
      %min3A = arith.minsi %add3A_125, %sub3A_127 : i32
      %mul3A_128 = arith.constant 128 : i32
      %mul3A_129 = arith.muli %min3A, %mul3A_128 : i32
      %add3A_130 = arith.addi %mul3A_25, %mul3A_129 : i32
      %dma_start3A_131 = tpu.memref_slice %arg3[%add3A_130] : memref<323584xi32, #tpu.memory_space<hbm>> -> memref<128xi32, #tpu.memory_space<hbm>>
      %dma_start3A_132 = tpu.memref_slice %arg3[%add3A_130] : memref<323584xi32, #tpu.memory_space<hbm>> -> memref<128xi32, #tpu.memory_space<hbm>>
      tpu.enqueue_dma source(%dma_start3A_132 : memref<128xi32, #tpu.memory_space<hbm>>) target(%arg8 : memref<128xi32, #tpu.memory_space<vmem>>) target_semaphore(%arg18 : memref<!tpu.dma_semaphore, #tpu.memory_space<semaphore_mem>>)
      %dma_start3A_133 = tpu.memref_slice %arg4[%add3A_130] : memref<323584xi32, #tpu.memory_space<hbm>> -> memref<128xi32, #tpu.memory_space<hbm>>
      %dma_start3A_134 = tpu.memref_slice %arg4[%add3A_130] : memref<323584xi32, #tpu.memory_space<hbm>> -> memref<128xi32, #tpu.memory_space<hbm>>
      tpu.enqueue_dma source(%dma_start3A_134 : memref<128xi32, #tpu.memory_space<hbm>>) target(%arg10 : memref<128xi32, #tpu.memory_space<vmem>>) target_semaphore(%arg18 : memref<!tpu.dma_semaphore, #tpu.memory_space<semaphore_mem>>)
      %get3A_135 = arith.constant 0 : index
      %get3A_136 = tpu.vector_load %arg11[%get3A_135] {strides = array<i32>} : memref<128xi32, #tpu.memory_space<vmem>>, vector<16xi32>,
      tpu.vector_store_idx %arg14[%get3A_136], %broadcast_in_dim3A_12 {add = true} : memref<10240xf32, #tpu.memory_space<vmem>>[vector<16xi32>], vector<16xf32>,
      %get3A_137 = arith.constant 16 : index
      %get3A_138 = tpu.vector_load %arg11[%get3A_137] {strides = array<i32>} : memref<128xi32, #tpu.memory_space<vmem>>, vector<16xi32>,
      tpu.vector_store_idx %arg14[%get3A_138], %broadcast_in_dim3A_12 {add = true} : memref<10240xf32, #tpu.memory_space<vmem>>[vector<16xi32>], vector<16xf32>,
      %get3A_139 = arith.constant 32 : index
      %get3A_140 = tpu.vector_load %arg11[%get3A_139] {strides = array<i32>} : memref<128xi32, #tpu.memory_space<vmem>>, vector<16xi32>,
      tpu.vector_store_idx %arg14[%get3A_140], %broadcast_in_dim3A_12 {add = true} : memref<10240xf32, #tpu.memory_space<vmem>>[vector<16xi32>], vector<16xf32>,
      %get3A_141 = arith.constant 48 : index
      %get3A_142 = tpu.vector_load %arg11[%get3A_141] {strides = array<i32>} : memref<128xi32, #tpu.memory_space<vmem>>, vector<16xi32>,
      tpu.vector_store_idx %arg14[%get3A_142], %broadcast_in_dim3A_12 {add = true} : memref<10240xf32, #tpu.memory_space<vmem>>[vector<16xi32>], vector<16xf32>,
      %get3A_143 = arith.constant 64 : index
      %get3A_144 = tpu.vector_load %arg11[%get3A_143] {strides = array<i32>} : memref<128xi32, #tpu.memory_space<vmem>>, vector<16xi32>,
      tpu.vector_store_idx %arg14[%get3A_144], %broadcast_in_dim3A_12 {add = true} : memref<10240xf32, #tpu.memory_space<vmem>>[vector<16xi32>], vector<16xf32>,
      %get3A_145 = arith.constant 80 : index
      %get3A_146 = tpu.vector_load %arg11[%get3A_145] {strides = array<i32>} : memref<128xi32, #tpu.memory_space<vmem>>, vector<16xi32>,
      tpu.vector_store_idx %arg14[%get3A_146], %broadcast_in_dim3A_12 {add = true} : memref<10240xf32, #tpu.memory_space<vmem>>[vector<16xi32>], vector<16xf32>,
      %get3A_147 = arith.constant 96 : index
      %get3A_148 = tpu.vector_load %arg11[%get3A_147] {strides = array<i32>} : memref<128xi32, #tpu.memory_space<vmem>>, vector<16xi32>,
      tpu.vector_store_idx %arg14[%get3A_148], %broadcast_in_dim3A_12 {add = true} : memref<10240xf32, #tpu.memory_space<vmem>>[vector<16xi32>], vector<16xf32>,
      %get3A_149 = arith.constant 112 : index
      %get3A_150 = tpu.vector_load %arg11[%get3A_149] {strides = array<i32>} : memref<128xi32, #tpu.memory_space<vmem>>, vector<16xi32>,
      tpu.vector_store_idx %arg14[%get3A_150], %broadcast_in_dim3A_12 {add = true} : memref<10240xf32, #tpu.memory_space<vmem>>[vector<16xi32>], vector<16xf32>,
      %dma_wait3A_151 = arith.constant 0 : i32
      %dma_wait3A_152 = arith.constant 0 : i32
      %dma_wait3A_153 = tpu.memref_slice %arg2[%dma_wait3A_151, %dma_wait3A_152] : memref<10240x128xf32, #tpu.memory_space<hbm>> -> memref<10240x128xf32, #tpu.memory_space<hbm>>
      tpu.wait_indirect_dma semaphore(%arg17 : memref<!tpu.dma_semaphore, #tpu.memory_space<semaphore_mem>>) src(%dma_wait3A_153 : memref<10240x128xf32, #tpu.memory_space<hbm>>) dst(%arg13 : memref<128x128xf32, #tpu.memory_space<vmem>>)
      "tpu.region"() ({
        %run_scoped3A = tpu.sem_alloc : memref<!tpu.dma_semaphore, #tpu.memory_space<semaphore_mem>>
        %dma_start3A_166 = arith.constant 0 : i32
        %dma_start3A_167 = arith.constant 0 : i32
        %dma_start3A_168 = tpu.memref_slice %arg15[%dma_start3A_166, %dma_start3A_167] : memref<10240x128xf32, #tpu.memory_space<vmem_shared>> -> memref<10240x128xf32, #tpu.memory_space<vmem_shared>>
        tpu.enqueue_indirect_dma source(%arg13 : memref<128x128xf32, #tpu.memory_space<vmem>>) target(%dma_start3A_168 : memref<10240x128xf32, #tpu.memory_space<vmem_shared>>) offsets(%arg11 : memref<128xi32, #tpu.memory_space<vmem>>) semaphore(%run_scoped3A : memref<!tpu.dma_semaphore, #tpu.memory_space<semaphore_mem>>) {add = true}
        %dma_wait3A_169 = arith.constant 0 : i32
        %dma_wait3A_170 = arith.constant 0 : i32
        %dma_wait3A_171 = tpu.memref_slice %arg15[%dma_wait3A_169, %dma_wait3A_170] : memref<10240x128xf32, #tpu.memory_space<vmem_shared>> -> memref<10240x128xf32, #tpu.memory_space<vmem_shared>>
        tpu.wait_indirect_dma semaphore(%run_scoped3A : memref<!tpu.dma_semaphore, #tpu.memory_space<semaphore_mem>>) src(%arg13 : memref<128x128xf32, #tpu.memory_space<vmem>>) dst(%dma_wait3A_171 : memref<10240x128xf32, #tpu.memory_space<vmem_shared>>)
        tpu.yield
      }) : () -> ()
      %add3A_154 = arith.constant 3 : i32
      %add3A_155 = arith.addi %mul3A_83, %add3A_154 : i32
      %sub3A_156 = arith.constant 1 : i32
      %sub3A_157 = arith.subi %select_n3A, %sub3A_156 : i32
      %min3A_158 = arith.minsi %add3A_155, %sub3A_157 : i32
      %mul3A_159 = arith.constant 128 : i32
      %mul3A_160 = arith.muli %min3A_158, %mul3A_159 : i32
      %add3A_161 = arith.addi %mul3A_25, %mul3A_160 : i32
      %dma_start3A_162 = tpu.memref_slice %arg3[%add3A_161] : memref<323584xi32, #tpu.memory_space<hbm>> -> memref<128xi32, #tpu.memory_space<hbm>>
      %dma_start3A_163 = tpu.memref_slice %arg3[%add3A_161] : memref<323584xi32, #tpu.memory_space<hbm>> -> memref<128xi32, #tpu.memory_space<hbm>>
      tpu.enqueue_dma source(%dma_start3A_163 : memref<128xi32, #tpu.memory_space<hbm>>) target(%arg9 : memref<128xi32, #tpu.memory_space<vmem>>) target_semaphore(%arg19 : memref<!tpu.dma_semaphore, #tpu.memory_space<semaphore_mem>>)
      %dma_start3A_164 = tpu.memref_slice %arg4[%add3A_161] : memref<323584xi32, #tpu.memory_space<hbm>> -> memref<128xi32, #tpu.memory_space<hbm>>
      %dma_start3A_165 = tpu.memref_slice %arg4[%add3A_161] : memref<323584xi32, #tpu.memory_space<hbm>> -> memref<128xi32, #tpu.memory_space<hbm>>
      tpu.enqueue_dma source(%dma_start3A_165 : memref<128xi32, #tpu.memory_space<hbm>>) target(%arg11 : memref<128xi32, #tpu.memory_space<vmem>>) target_semaphore(%arg19 : memref<!tpu.dma_semaphore, #tpu.memory_space<semaphore_mem>>)
    }
    %dma_wait3A = tpu.memref_slice %arg3[%add3A_29] : memref<323584xi32, #tpu.memory_space<hbm>> -> memref<128xi32, #tpu.memory_space<hbm>>
    %dma_wait3A_69 = tpu.memref_slice %arg3[%add3A_29] : memref<323584xi32, #tpu.memory_space<hbm>> -> memref<128xi32, #tpu.memory_space<hbm>>
    tpu.wait_dma2 semaphore(%arg18 : memref<!tpu.dma_semaphore, #tpu.memory_space<semaphore_mem>>) src(%dma_wait3A_69 : memref<128xi32, #tpu.memory_space<hbm>>) dst(%arg8 : memref<128xi32, #tpu.memory_space<vmem>>)
    %dma_wait3A_70 = tpu.memref_slice %arg4[%add3A_29] : memref<323584xi32, #tpu.memory_space<hbm>> -> memref<128xi32, #tpu.memory_space<hbm>>
    %dma_wait3A_71 = tpu.memref_slice %arg4[%add3A_29] : memref<323584xi32, #tpu.memory_space<hbm>> -> memref<128xi32, #tpu.memory_space<hbm>>
    tpu.wait_dma2 semaphore(%arg18 : memref<!tpu.dma_semaphore, #tpu.memory_space<semaphore_mem>>) src(%dma_wait3A_71 : memref<128xi32, #tpu.memory_space<hbm>>) dst(%arg10 : memref<128xi32, #tpu.memory_space<vmem>>)
    %dma_wait3A_72 = tpu.memref_slice %arg3[%add3A_29] : memref<323584xi32, #tpu.memory_space<hbm>> -> memref<128xi32, #tpu.memory_space<hbm>>
    %dma_wait3A_73 = tpu.memref_slice %arg3[%add3A_29] : memref<323584xi32, #tpu.memory_space<hbm>> -> memref<128xi32, #tpu.memory_space<hbm>>
    tpu.wait_dma2 semaphore(%arg19 : memref<!tpu.dma_semaphore, #tpu.memory_space<semaphore_mem>>) src(%dma_wait3A_73 : memref<128xi32, #tpu.memory_space<hbm>>) dst(%arg9 : memref<128xi32, #tpu.memory_space<vmem>>)
    %dma_wait3A_74 = tpu.memref_slice %arg4[%add3A_29] : memref<323584xi32, #tpu.memory_space<hbm>> -> memref<128xi32, #tpu.memory_space<hbm>>
    %dma_wait3A_75 = tpu.memref_slice %arg4[%add3A_29] : memref<323584xi32, #tpu.memory_space<hbm>> -> memref<128xi32, #tpu.memory_space<hbm>>
    tpu.wait_dma2 semaphore(%arg19 : memref<!tpu.dma_semaphore, #tpu.memory_space<semaphore_mem>>) src(%dma_wait3A_75 : memref<128xi32, #tpu.memory_space<hbm>>) dst(%arg11 : memref<128xi32, #tpu.memory_space<vmem>>)
    %barrier3A_76 = arith.constant 0 : index
    tpu.barrier barrier_id(%barrier3A_76)
    %mul3A_77 = arith.constant 640 : i32
    %mul3A_78 = arith.muli %arg1, %mul3A_77 : i32
    %mul3A_79 = arith.constant 640 : i32
    %mul3A_80 = arith.muli %arg1, %mul3A_79 : i32
    "tpu.region"() ({
      %run_scoped3A = tpu.sem_alloc : memref<!tpu.dma_semaphore, #tpu.memory_space<semaphore_mem>>
      %dma_start3A_81 = arith.constant 0 : i32
      %dma_start3A_82 = tpu.memref_slice %arg6[%arg0, %mul3A_80, %dma_start3A_81] : memref<2x10240x128xf32, #tpu.memory_space<hbm>> -> memref<1x640x128xf32, #tpu.memory_space<hbm>>
      %dma_start3A_83 = tpu.memref_squeeze %dma_start3A_82 : memref<1x640x128xf32, #tpu.memory_space<hbm>> -> memref<640x128xf32, #tpu.memory_space<hbm>>
      %dma_start3A_84 = arith.constant 0 : i32
      %dma_start3A_85 = tpu.memref_slice %arg15[%mul3A_78, %dma_start3A_84] : memref<10240x128xf32, #tpu.memory_space<vmem_shared>> -> memref<640x128xf32, #tpu.memory_space<vmem_shared>>
      tpu.enqueue_dma source(%dma_start3A_85 : memref<640x128xf32, #tpu.memory_space<vmem_shared>>) target(%dma_start3A_83 : memref<640x128xf32, #tpu.memory_space<hbm>>) target_semaphore(%run_scoped3A : memref<!tpu.dma_semaphore, #tpu.memory_space<semaphore_mem>>)
      %dma_wait3A_86 = arith.constant 0 : i32
      %dma_wait3A_87 = tpu.memref_slice %arg6[%arg0, %mul3A_80, %dma_wait3A_86] : memref<2x10240x128xf32, #tpu.memory_space<hbm>> -> memref<1x640x128xf32, #tpu.memory_space<hbm>>
      %dma_wait3A_88 = tpu.memref_squeeze %dma_wait3A_87 : memref<1x640x128xf32, #tpu.memory_space<hbm>> -> memref<640x128xf32, #tpu.memory_space<hbm>>
      %dma_wait3A_89 = arith.constant 0 : i32
      %dma_wait3A_90 = tpu.memref_slice %arg15[%mul3A_78, %dma_wait3A_89] : memref<10240x128xf32, #tpu.memory_space<vmem_shared>> -> memref<640x128xf32, #tpu.memory_space<vmem_shared>>
      tpu.wait_dma2 semaphore(%run_scoped3A : memref<!tpu.dma_semaphore, #tpu.memory_space<semaphore_mem>>) src(%dma_wait3A_90 : memref<640x128xf32, #tpu.memory_space<vmem_shared>>) dst(%dma_wait3A_88 : memref<640x128xf32, #tpu.memory_space<hbm>>)
      tpu.yield
    }) : () -> ()
    "tpu.region"() ({
      %run_scoped3A = tpu.sem_alloc : memref<!tpu.dma_semaphore, #tpu.memory_space<semaphore_mem>>
      %dma_start3A_81 = arith.constant 0 : i32
      %dma_start3A_82 = tpu.memref_slice %arg7[%add3A, %dma_start3A_81] : memref<32x10240xf32, #tpu.memory_space<hbm>> -> memref<1x10240xf32, #tpu.memory_space<hbm>>
      %dma_start3A_83 = tpu.memref_squeeze %dma_start3A_82 : memref<1x10240xf32, #tpu.memory_space<hbm>> -> memref<10240xf32, #tpu.memory_space<hbm>>
      %dma_start3A_84 = arith.constant 0 : i32
      %dma_start3A_85 = tpu.memref_slice %arg7[%add3A, %dma_start3A_84] : memref<32x10240xf32, #tpu.memory_space<hbm>> -> memref<1x10240xf32, #tpu.memory_space<hbm>>
      %dma_start3A_86 = tpu.memref_squeeze %dma_start3A_85 : memref<1x10240xf32, #tpu.memory_space<hbm>> -> memref<10240xf32, #tpu.memory_space<hbm>>
      tpu.enqueue_dma source(%arg14 : memref<10240xf32, #tpu.memory_space<vmem>>) target(%dma_start3A_86 : memref<10240xf32, #tpu.memory_space<hbm>>) target_semaphore(%run_scoped3A : memref<!tpu.dma_semaphore, #tpu.memory_space<semaphore_mem>>)
      %dma_wait3A_87 = arith.constant 0 : i32
      %dma_wait3A_88 = tpu.memref_slice %arg7[%add3A, %dma_wait3A_87] : memref<32x10240xf32, #tpu.memory_space<hbm>> -> memref<1x10240xf32, #tpu.memory_space<hbm>>
      %dma_wait3A_89 = tpu.memref_squeeze %dma_wait3A_88 : memref<1x10240xf32, #tpu.memory_space<hbm>> -> memref<10240xf32, #tpu.memory_space<hbm>>
      %dma_wait3A_90 = arith.constant 0 : i32
      %dma_wait3A_91 = tpu.memref_slice %arg7[%add3A, %dma_wait3A_90] : memref<32x10240xf32, #tpu.memory_space<hbm>> -> memref<1x10240xf32, #tpu.memory_space<hbm>>
      %dma_wait3A_92 = tpu.memref_squeeze %dma_wait3A_91 : memref<1x10240xf32, #tpu.memory_space<hbm>> -> memref<10240xf32, #tpu.memory_space<hbm>>
      tpu.wait_dma2 semaphore(%run_scoped3A : memref<!tpu.dma_semaphore, #tpu.memory_space<semaphore_mem>>) src(%arg14 : memref<10240xf32, #tpu.memory_space<vmem>>) dst(%dma_wait3A_92 : memref<10240xf32, #tpu.memory_space<hbm>>)
      tpu.yield
    }) : () -> ()
    return
  }
}

module attributes {stable_mosaic.version = 14 : i64} {
  func.func @_tc_decode_body(%arg0: i32, %arg1: memref<1024x128xf32, #tpu.memory_space<vmem>>, %arg2: memref<2x1024x128xf32, #tpu.memory_space<vmem>>, %arg3: memref<32x1024xf32, #tpu.memory_space<vmem>>, %arg4: memref<128x128xf32, #tpu.memory_space<vmem>>, %arg5: memref<1x128xf32, #tpu.memory_space<vmem>>, %arg6: memref<128x256xf32, #tpu.memory_space<vmem>>, %arg7: memref<1x256xf32, #tpu.memory_space<vmem>>, %arg8: memref<256x64xf32, #tpu.memory_space<vmem>>, %arg9: memref<1x64xf32, #tpu.memory_space<vmem>>, %arg10: memref<1x64xf32, #tpu.memory_space<vmem>>, %arg11: memref<8x128xf32, #tpu.memory_space<vmem>>) attributes {dimension_semantics = [#tpu.dimension_semantics<arbitrary>], iteration_bounds = array<i64: 10>, scalar_prefetch = 0 : i64, scratch_operands = 1 : i64, tpu.core_type = #tpu.core_type<tc>, window_params = [{transform_indices = @transform_0, window_bounds = array<i64: 1024, 128>}, {transform_indices = @transform_1, window_bounds = array<i64: 2, 1024, 128>}, {transform_indices = @transform_2, window_bounds = array<i64: 32, 1024>}, {pipeline_mode = #tpu.pipeline_mode<synchronous>, transform_indices = @transform_3, window_bounds = array<i64: 128, 128>}, {pipeline_mode = #tpu.pipeline_mode<synchronous>, transform_indices = @transform_4, window_bounds = array<i64: 1, 128>}, {pipeline_mode = #tpu.pipeline_mode<synchronous>, transform_indices = @transform_5, window_bounds = array<i64: 128, 256>}, {pipeline_mode = #tpu.pipeline_mode<synchronous>, transform_indices = @transform_6, window_bounds = array<i64: 1, 256>}, {pipeline_mode = #tpu.pipeline_mode<synchronous>, transform_indices = @transform_7, window_bounds = array<i64: 256, 64>}, {pipeline_mode = #tpu.pipeline_mode<synchronous>, transform_indices = @transform_8, window_bounds = array<i64: 1, 64>}, {pipeline_mode = #tpu.pipeline_mode<synchronous>, transform_indices = @transform_9, window_bounds = array<i64: 1, 64>}]} {
    %eq3A = arith.constant 0 : i32
    %eq3A_0 = arith.cmpi eq, %arg0, %eq3A : i32
    %convert_element_type3A = arith.extui %eq3A_0 : i1 to i32
    %cond3A = arith.constant 0 : i32
    %cond3A_1 = arith.cmpi ne, %convert_element_type3A, %cond3A : i32
    scf.if %cond3A_1 {
      %broadcast_in_dim3A_56 = arith.constant 0.000000e+00 : f32
      %broadcast_in_dim3A_57 = vector.broadcast %broadcast_in_dim3A_56 : f32 to vector<8x128xf32>
      %swap3A_58 = arith.constant 0 : index
      %swap3A_59 = arith.constant 0 : index
      %swap3A_60 = vector.load %arg11[%swap3A_58, %swap3A_59] : memref<8x128xf32, #tpu.memory_space<vmem>>, vector<8x128xf32>
      tpu.vector_store %arg11[%swap3A_58, %swap3A_59], %broadcast_in_dim3A_57 {strides = array<i32>} : memref<8x128xf32, #tpu.memory_space<vmem>>, vector<8x128xf32>,
    } else {
    }
    %get3A = arith.constant 0 : index
    %get3A_2 = arith.constant 0 : index
    %get3A_3 = arith.constant 0 : index
    %get3A_4 = vector.load %arg2[%get3A, %get3A_2, %get3A_3] : memref<2x1024x128xf32, #tpu.memory_space<vmem>>, vector<1x1024x128xf32>
    %get3A_5 = vector.shape_cast %get3A_4 : vector<1x1024x128xf32> to vector<1024x128xf32>
    %get3A_6 = arith.constant 1 : index
    %get3A_7 = arith.constant 0 : index
    %get3A_8 = arith.constant 0 : index
    %get3A_9 = vector.load %arg2[%get3A_6, %get3A_7, %get3A_8] : memref<2x1024x128xf32, #tpu.memory_space<vmem>>, vector<1x1024x128xf32>
    %get3A_10 = vector.shape_cast %get3A_9 : vector<1x1024x128xf32> to vector<1024x128xf32>
    %add3A = arith.addf %get3A_5, %get3A_10 : vector<1024x128xf32>
    %get3A_11 = arith.constant 0 : index
    %get3A_12 = arith.constant 0 : index
    %get3A_13 = vector.load %arg3[%get3A_11, %get3A_12] : memref<32x1024xf32, #tpu.memory_space<vmem>>, vector<32x1024xf32>
    %reduce_sum3A = arith.constant dense<0.000000e+00> : vector<1024xf32>
    %reduce_sum3A_14 = vector.multi_reduction <add>, %get3A_13, %reduce_sum3A [0] : vector<32x1024xf32> to vector<1024xf32>
    %broadcast_in_dim3A = vector.shape_cast %reduce_sum3A_14 : vector<1024xf32> to vector<1024x1xf32>
    %max3A = arith.constant 1.000000e+00 : f32
    %max3A_15 = vector.broadcast %max3A : f32 to vector<1024x1xf32>
    %max3A_16 = arith.maximumf %broadcast_in_dim3A, %max3A_15 : vector<1024x1xf32>
    %div3A = vector.broadcast %max3A_16 : vector<1024x1xf32> to vector<1024x128xf32>
    %div3A_17 = arith.divf %add3A, %div3A : vector<1024x128xf32>
    %get3A_18 = arith.constant 0 : index
    %get3A_19 = arith.constant 0 : index
    %get3A_20 = vector.load %arg1[%get3A_18, %get3A_19] : memref<1024x128xf32, #tpu.memory_space<vmem>>, vector<1024x128xf32>
    %add3A_21 = arith.addf %get3A_20, %div3A_17 : vector<1024x128xf32>
    %get3A_22 = arith.constant 0 : index
    %get3A_23 = arith.constant 0 : index
    %get3A_24 = vector.load %arg4[%get3A_22, %get3A_23] : memref<128x128xf32, #tpu.memory_space<vmem>>, vector<128x128xf32>
    %dot_general3A = arith.constant dense<0.000000e+00> : vector<1024x128xf32>
    %dot_general3A_25 = tpu.matmul %add3A_21, %get3A_24, %dot_general3A {dimension_numbers = #tpu.dot_dimension_numbers<[1], [0], [0], [1], [0, 0, 1, 1], [], []>, transpose_lhs_hint = false} : vector<1024x128xf32>, vector<128x128xf32>, vector<1024x128xf32> -> vector<1024x128xf32>
    %get3A_26 = arith.constant 0 : index
    %get3A_27 = arith.constant 0 : index
    %get3A_28 = vector.load %arg5[%get3A_26, %get3A_27] : memref<1x128xf32, #tpu.memory_space<vmem>>, vector<1x128xf32>
    %add3A_29 = vector.broadcast %get3A_28 : vector<1x128xf32> to vector<1024x128xf32>
    %add3A_30 = arith.addf %dot_general3A_25, %add3A_29 : vector<1024x128xf32>
    %max3A_31 = arith.constant 0.000000e+00 : f32
    %max3A_32 = vector.broadcast %max3A_31 : f32 to vector<1024x128xf32>
    %max3A_33 = arith.maximumf %add3A_30, %max3A_32 : vector<1024x128xf32>
    %mul3A = arith.constant 1024 : i32
    %mul3A_34 = arith.muli %arg0, %mul3A : i32
    %iota3A = tpu.iota {dimensions = array<i32: 0>} : vector<1024x1xi32>
    %add3A_35 = vector.broadcast %mul3A_34 : i32 to vector<1024x1xi32>
    %add3A_36 = arith.addi %add3A_35, %iota3A : vector<1024x1xi32>
    %lt3A = arith.constant 10000 : i32
    %lt3A_37 = vector.broadcast %lt3A : i32 to vector<1024x1xi32>
    %lt3A_38 = arith.cmpi slt, %add3A_36, %lt3A_37 : vector<1024x1xi32>
    %jit3A = arith.constant 0.000000e+00 : f32
    %broadcast_in_dim3A_39 = vector.shape_cast %lt3A_38 : vector<1024x1xi1> to vector<1024x1xi1>
    %broadcast_in_dim3A_40 = vector.broadcast %broadcast_in_dim3A_39 : vector<1024x1xi1> to vector<1024x128xi1>
    %broadcast_in_dim3A_41 = vector.broadcast %jit3A : f32 to vector<1024x128xf32>
    %select_n3A = arith.select %broadcast_in_dim3A_40, %max3A_33, %broadcast_in_dim3A_41 : vector<1024x128xi1>, vector<1024x128xf32>
    %get3A_42 = arith.constant 0 : index
    %get3A_43 = arith.constant 0 : index
    %get3A_44 = vector.load %arg11[%get3A_42, %get3A_43] : memref<8x128xf32, #tpu.memory_space<vmem>>, vector<1x128xf32>
    %reduce_sum3A_45 = arith.constant dense<0.000000e+00> : vector<128xf32>
    %reduce_sum3A_46 = vector.multi_reduction <add>, %select_n3A, %reduce_sum3A_45 [0] : vector<1024x128xf32> to vector<128xf32>
    %broadcast_in_dim3A_47 = vector.shape_cast %reduce_sum3A_46 : vector<128xf32> to vector<1x128xf32>
    %add3A_48 = arith.addf %get3A_44, %broadcast_in_dim3A_47 : vector<1x128xf32>
    %swap3A = arith.constant 0 : index
    %swap3A_49 = arith.constant 0 : index
    %swap3A_50 = vector.load %arg11[%swap3A, %swap3A_49] : memref<8x128xf32, #tpu.memory_space<vmem>>, vector<1x128xf32>
    tpu.vector_store %arg11[%swap3A, %swap3A_49], %add3A_48 {strides = array<i32>} : memref<8x128xf32, #tpu.memory_space<vmem>>, vector<1x128xf32>,
    %eq3A_51 = arith.constant 9 : i32
    %eq3A_52 = arith.cmpi eq, %arg0, %eq3A_51 : i32
    %convert_element_type3A_53 = arith.extui %eq3A_52 : i1 to i32
    %cond3A_54 = arith.constant 0 : i32
    %cond3A_55 = arith.cmpi ne, %convert_element_type3A_53, %cond3A_54 : i32
    scf.if %cond3A_55 {
      %get3A_56 = arith.constant 0 : index
      %get3A_57 = arith.constant 0 : index
      %get3A_58 = vector.load %arg11[%get3A_56, %get3A_57] : memref<8x128xf32, #tpu.memory_space<vmem>>, vector<1x128xf32>
      %mul3A_59 = arith.constant 9.99999974E-5 : f32
      %mul3A_60 = vector.broadcast %mul3A_59 : f32 to vector<1x128xf32>
      %mul3A_61 = arith.mulf %get3A_58, %mul3A_60 : vector<1x128xf32>
      %get3A_62 = arith.constant 0 : index
      %get3A_63 = arith.constant 0 : index
      %get3A_64 = vector.load %arg6[%get3A_62, %get3A_63] : memref<128x256xf32, #tpu.memory_space<vmem>>, vector<128x256xf32>
      %dot_general3A_65 = arith.constant dense<0.000000e+00> : vector<1x256xf32>
      %dot_general3A_66 = tpu.matmul %mul3A_61, %get3A_64, %dot_general3A_65 {dimension_numbers = #tpu.dot_dimension_numbers<[1], [0], [0], [1], [0, 0, 1, 1], [], []>, transpose_lhs_hint = false} : vector<1x128xf32>, vector<128x256xf32>, vector<1x256xf32> -> vector<1x256xf32>
      %get3A_67 = arith.constant 0 : index
      %get3A_68 = arith.constant 0 : index
      %get3A_69 = vector.load %arg7[%get3A_67, %get3A_68] : memref<1x256xf32, #tpu.memory_space<vmem>>, vector<1x256xf32>
      %add3A_70 = arith.addf %dot_general3A_66, %get3A_69 : vector<1x256xf32>
      %max3A_71 = arith.constant 0.000000e+00 : f32
      %max3A_72 = vector.broadcast %max3A_71 : f32 to vector<1x256xf32>
      %max3A_73 = arith.maximumf %add3A_70, %max3A_72 : vector<1x256xf32>
      %get3A_74 = arith.constant 0 : index
      %get3A_75 = arith.constant 0 : index
      %get3A_76 = vector.load %arg8[%get3A_74, %get3A_75] : memref<256x64xf32, #tpu.memory_space<vmem>>, vector<256x64xf32>
      %dot_general3A_77 = arith.constant dense<0.000000e+00> : vector<1x64xf32>
      %dot_general3A_78 = tpu.matmul %max3A_73, %get3A_76, %dot_general3A_77 {dimension_numbers = #tpu.dot_dimension_numbers<[1], [0], [0], [1], [0, 0, 1, 1], [], []>, transpose_lhs_hint = false} : vector<1x256xf32>, vector<256x64xf32>, vector<1x64xf32> -> vector<1x64xf32>
      %get3A_79 = arith.constant 0 : index
      %get3A_80 = arith.constant 0 : index
      %get3A_81 = vector.load %arg9[%get3A_79, %get3A_80] : memref<1x64xf32, #tpu.memory_space<vmem>>, vector<1x64xf32>
      %add3A_82 = arith.addf %dot_general3A_78, %get3A_81 : vector<1x64xf32>
      %swap3A_83 = arith.constant 0 : index
      %swap3A_84 = arith.constant 0 : index
      %swap3A_85 = vector.load %arg10[%swap3A_83, %swap3A_84] : memref<1x64xf32, #tpu.memory_space<vmem>>, vector<1x64xf32>
      tpu.vector_store %arg10[%swap3A_83, %swap3A_84], %add3A_82 {strides = array<i32>} : memref<1x64xf32, #tpu.memory_space<vmem>>, vector<1x64xf32>,
    } else {
    }
    return
  }
  func.func @transform_0(%arg0: i32) -> (i32, i32) {
    %c0_i32 = arith.constant 0 : i32
    %c0_i32_0 = arith.constant 0 : i32
    return %arg0, %c0_i32 : i32, i32
  }
  func.func @transform_1(%arg0: i32) -> (i32, i32, i32) {
    %c0_i32 = arith.constant 0 : i32
    %c0_i32_0 = arith.constant 0 : i32
    %c0_i32_1 = arith.constant 0 : i32
    return %c0_i32, %arg0, %c0_i32_0 : i32, i32, i32
  }
  func.func @transform_2(%arg0: i32) -> (i32, i32) {
    %c0_i32 = arith.constant 0 : i32
    %c0_i32_0 = arith.constant 0 : i32
    return %c0_i32, %arg0 : i32, i32
  }
  func.func @transform_3(%arg0: i32) -> (i32, i32) {
    %c0_i32 = arith.constant 0 : i32
    %c0_i32_0 = arith.constant 0 : i32
    %c0_i32_1 = arith.constant 0 : i32
    return %c0_i32, %c0_i32_0 : i32, i32
  }
  func.func @transform_4(%arg0: i32) -> (i32, i32) {
    %c0_i32 = arith.constant 0 : i32
    %c0_i32_0 = arith.constant 0 : i32
    %c0_i32_1 = arith.constant 0 : i32
    return %c0_i32, %c0_i32_0 : i32, i32
  }
  func.func @transform_5(%arg0: i32) -> (i32, i32) {
    %c0_i32 = arith.constant 0 : i32
    %c0_i32_0 = arith.constant 0 : i32
    %c0_i32_1 = arith.constant 0 : i32
    return %c0_i32, %c0_i32_0 : i32, i32
  }
  func.func @transform_6(%arg0: i32) -> (i32, i32) {
    %c0_i32 = arith.constant 0 : i32
    %c0_i32_0 = arith.constant 0 : i32
    %c0_i32_1 = arith.constant 0 : i32
    return %c0_i32, %c0_i32_0 : i32, i32
  }
  func.func @transform_7(%arg0: i32) -> (i32, i32) {
    %c0_i32 = arith.constant 0 : i32
    %c0_i32_0 = arith.constant 0 : i32
    %c0_i32_1 = arith.constant 0 : i32
    return %c0_i32, %c0_i32_0 : i32, i32
  }
  func.func @transform_8(%arg0: i32) -> (i32, i32) {
    %c0_i32 = arith.constant 0 : i32
    %c0_i32_0 = arith.constant 0 : i32
    %c0_i32_1 = arith.constant 0 : i32
    return %c0_i32, %c0_i32_0 : i32, i32
  }
  func.func @transform_9(%arg0: i32) -> (i32, i32) {
    %c0_i32 = arith.constant 0 : i32
    %c0_i32_0 = arith.constant 0 : i32
    %c0_i32_1 = arith.constant 0 : i32
    return %c0_i32, %c0_i32_0 : i32, i32
  }
}

</mosaic_0001>

<sc_bundles>
// kernel: kernel.4.cloned.1.call-start
scs
__scs_entry_jumppad:
0x0: {  	(pc) =	sbr.rel $0x88, $3  }
0x1: {  	(tag) =	ssettag $0x0;
	lr =	simm.s32 $0x1  }
0x2: {  	[smem:$0x3F99] =	sst lr;
	_ =	strace $0xD0000000  }
0x3: {  	_ = 	snop  }
0x4: {  	_ = 	snop  }
0x5: {  	_ = 	snop  }
0x6: {  	_ = 	snop  }
0x7: {  	_ = 	snop  }
__scs_overlays_trampoline_lowered:
0x8: {  	[smem:$0x3FA8] =	sst s0  }
0x9: {  	[smem:$0x3FA9] =	sst s1  }
0xa: {  	[smem:$0x3FAA] =	sst s2  }
0xb: {  	[smem:$0x3FAB] =	sst s3  }
0xc: {  	[smem:$0x3FAC] =	sst s4  }
0xd: {  	[smem:$0x3FAD] =	sst s5  }
0xe: {  	[smem:$0x3FAE] =	sst s6  }
0xf: {  	[smem:$0x3FAF] =	sst s7  }
0x10: {  	[smem:$0x3FB0] =	sst s8  }
0x11: {  	[smem:$0x3FB1] =	sst s9;
	s0 =	simm.s32 @!p0 $0x0  }
0x12: {  	s1 =	sld [smem:$0x3F97];
	s0 =	simm.s32 @p0 $0x1  }
0x13: {  	[smem:$0x3FB2] =	sst s0;
	s0 =	simm.s32 @!p1 $0x0  }
0x14: {  	s2 =	sld [smem:$0x3F96];
	s0 =	simm.s32 @p1 $0x1  }
0x15: {  	[smem:$0x3FB3] =	sst s0;
	s0 =	simm.s32 @!p2 $0x0  }
0x16: {  	s3 =	sld [smem:$0x3FDB];
	s0 =	simm.s32 @p2 $0x1  }
0x17: {  	s4 =	simm.s32 $0x1BF5;
	[smem:$0x3FB5] =	sst s0  }
0x18: {  	s0 =	sld [smem:$0x3F98];
	_ =	swait.ge [sflag:s4], $0x0  }
0x19: {  	s7 =	sld [smem:$0x3F99]  }
0x1a: {  	s8 =	sadd.s32 $0xFFFFE003, lr  }
0x1b: {  	s9 =	sadd.s32 $0xFFFFFEF7, lr;
	s5 =	simm.s32 $0xFFFFFFFF;
	p2 =	slt.u32 s8, $0xFFFFF086  }
0x1c: {  	p1 =	slt.u32 s9, $0xF7A;
	s5 =	simm.s32 @!p2 $0x0  }
0x1d: {  	s5 =	simm.s32 @p1 $0x1;
	p0 =	seq.s32 s7, s2  }
0x1e: {  	s7 =	smul.u32 @!p0 $0xF7A, s2;
	p2 =	seq.s32 @!p0 s5, $0x0  }
0x1f: {  	s9 =	smul.u32 $0xF7A, s1;
	s8 =	simm.s32 @!p0 $0x1BF5;
	p2 =	por !p2, p0  }
0x20: {  	[sflag:s8] =	ssyncset.s32 @!p0 $0xFFFFF086;
	s6 =	sadd.s32 @!p0 s3, s7;
	s7 =	simm.s32 @!p0 $0x108  }
0x21: {  	s3 =	sadd.s32 s3, s9;
	s6 =	sadd.s32 @!p0 $0x88, s6;
	s7 =	simm.s32 @p2 $0x1082  }
0x22: {  	[simem:s7], [sflag:s8] =	dma.local @!p0 [hbm:s6], $0xF7A  }
0x23: {  	s9 =	sor.u32 $0xD0000000, s2;
	s6 =	simm.s32 $0x108;
	_ =	swait.ge @!p0 [sflag:s8], $0x0  }
0x24: {  	s3 =	sadd.s32 $0x88, s3;
	s6 =	simm.s32 @!p1 $0x1082;
	[sflag:s4] =	ssyncset.s32 $0xFFFFF086  }
0x25: {  	[simem:s6], [sflag:s4] =	dma.local [hbm:s3], $0xF7A  }
0x26: {  	[smem:$0x3F99] =	sst s1;
	(tag) =	ssettag s2;
	_ =	strace s9  }
0x27: {  	s1 =	sld [smem:$0x3FA9]  }
0x28: {  	s2 =	sld [smem:$0x3FAA]  }
0x29: {  	s4 =	sld [smem:$0x3FAC]  }
0x2a: {  	p0 =	seq.s32 s5, $0x0;
	s5 =	sld [smem:$0x3FAD]  }
0x2b: {  	s6 =	sld [smem:$0x3FAE]  }
0x2c: {  	s7 =	sld [smem:$0x3FAF]  }
0x2d: {  	s3 =	simm.s32 $0x108;
	s8 =	sld [smem:$0x3FB0]  }
0x2e: {  	s3 =	simm.s32 @!p0 $0x1082;
	s9 =	sld [smem:$0x3FB1]  }
0x2f: {  	lr =	sadd.s32 s0, s3;
	s0 =	sld [smem:$0x3FA8]  }
0x30: {  	s3 =	sld [smem:$0x3FAB]  }
0x31: {  	[smem:$0x3FB4] =	sst s10  }
0x32: {  	s10 =	sld [smem:$0x3FB2];
	_ =	sdelay $0x3  }
0x33: {  	p0 =	seq.s32 s10, $0x1;
	s10 =	sld [smem:$0x3FB4];
	_ =	sdelay $0x3  }
0x34: {  	[smem:$0x3FB4] =	sst s10  }
0x35: {  	s10 =	sld [smem:$0x3FB3];
	_ =	sdelay $0x3  }
0x36: {  	p1 =	seq.s32 s10, $0x1;
	s10 =	sld [smem:$0x3FB4];
	_ =	sdelay $0x3  }
0x37: {  	[smem:$0x3FB4] =	sst s10  }
0x38: {  	s10 =	sld [smem:$0x3FB5]  }
0x39: {  	_ = 	snop;
	(pc) =	sbr.ind lr, $3  }
0x3a: {  	_ = 	snop  }
0x3b: {  	_ = 	snop  }
0x3c: {  	p2 =	seq.s32 s10, $0x1;
	s10 =	sld [smem:$0x3FB4]  }
0x3d: {  	_ =	shalt  }
0x3e: {  	_ =	shalt  }
0x3f: {  	_ =	shalt  }
0x40: {  	_ =	shalt  }
0x41: {  	_ =	shalt  }
0x42: {  	_ =	shalt  }
0x43: {  	_ =	shalt  }
0x44: {  	_ =	shalt  }
0x45: {  	_ =	shalt  }
0x46: {  	_ =	shalt  }
0x47: {  	_ =	shalt  }
0x48: {  	_ =	shalt  }
0x49: {  	_ =	shalt  }
0x4a: {  	_ =	shalt  }
0x4b: {  	_ =	shalt  }
0x4c: {  	_ =	shalt  }
0x4d: {  	_ =	shalt  }
0x4e: {  	_ =	shalt  }
0x4f: {  	_ =	shalt  }
0x50: {  	_ =	shalt  }
0x51: {  	_ =	shalt  }
0x52: {  	_ =	shalt  }
0x53: {  	_ =	shalt  }
0x54: {  	_ =	shalt  }
0x55: {  	_ =	shalt  }
0x56: {  	_ =	shalt  }
0x57: {  	_ =	shalt  }
0x58: {  	_ =	shalt  }
0x59: {  	_ =	shalt  }
0x5a: {  	_ =	shalt  }
0x5b: {  	_ =	shalt  }
0x5c: {  	_ =	shalt  }
0x5d: {  	_ =	shalt  }
0x5e: {  	_ =	shalt  }
0x5f: {  	_ =	shalt  }
0x60: {  	_ =	shalt  }
0x61: {  	_ =	shalt  }
0x62: {  	_ =	shalt  }
0x63: {  	_ =	shalt  }
0x64: {  	_ =	shalt  }
0x65: {  	_ =	shalt  }
0x66: {  	_ =	shalt  }
0x67: {  	_ =	shalt  }
0x68: {  	_ =	shalt  }
0x69: {  	_ =	shalt  }
0x6a: {  	_ =	shalt  }
0x6b: {  	_ =	shalt  }
0x6c: {  	_ =	shalt  }
0x6d: {  	_ =	shalt  }
0x6e: {  	_ =	shalt  }
0x6f: {  	_ =	shalt  }
0x70: {  	_ =	shalt  }
0x71: {  	_ =	shalt  }
0x72: {  	_ =	shalt  }
0x73: {  	_ =	shalt  }
0x74: {  	_ =	shalt  }
0x75: {  	_ =	shalt  }
0x76: {  	_ =	shalt  }
0x77: {  	_ =	shalt  }
0x78: {  	_ =	shalt  }
0x79: {  	_ =	shalt  }
0x7a: {  	_ =	shalt  }
0x7b: {  	_ =	shalt  }
0x7c: {  	_ =	shalt  }
0x7d: {  	_ =	shalt  }
0x7e: {  	_ =	shalt  }
0x7f: {  	_ =	shalt  }
0x80: {  	_ =	shalt  }
0x81: {  	_ =	shalt  }
0x82: {  	_ =	shalt  }
0x83: {  	_ =	shalt  }
0x84: {  	_ =	shalt  }
0x85: {  	_ =	shalt  }
0x86: {  	_ =	shalt  }
0x87: {  	_ =	shalt  }
.Lfunc_end0:
.L_simem_size_0:
called_computation_lowered:
.L_overlay_start_0:
0x88: {  	s2 =	sld [smem:$0x3FD9]  }
0x89: {  	s3 =	sld [smem:$0x3FFE];
	_ =	sdelay $0x1  }
0x8a: {  	s1 =	srdreg.scid  }
0x8b: {  	s0 =	sand.u32 $0x1, s1  }
0x8c: {  	s16 =	sshll.u32 s0, $0xA;
	s2 =	sadd.s32 s3, s2  }
0x8d: {  	s2 =	sadd.s32 s2, s16  }
0x8e: {  	[smem:$0x3FC0] =	sst s2  }
0x8f: {  	_ = 	snop  }
0x90: {  	(tm) =	ssettm $0x1  }
0x91: {  	s17 =	sld [smem:$0x3FFB];
	_ =	sdelay $0x3  }
0x92: {  	_ =	strace s17  }
0x93: {  	s2 =	sld [smem:$0x3FFC];
	_ =	sdelay $0x3  }
0x94: {  	_ =	strace s2  }
0x95: {  	s2 =	sld [smem:$0x3FFD];
	_ =	sdelay $0x3  }
0x96: {  	_ =	strace s2  }
0x97: {  	_ =	strace $0x8FFFFFFF  }
0x98: {  	s18 =	sld [smem:$0x3FDB];
	_ =	sdelay $0x1  }
0x99: {  	s19 =	simm.s32 $_scs_section_size  }
0x9a: {  	s4 =	simm.s32 $_size__tile_overlayer_lowered;
	s5 =	simm.s32 $_tile_overlayer_lowered  }
0x9b: {  	s22 =	simm.s32 $0x1BFF;
	s21 =	sshll.u32 s5, $0x1;
	s2 =	sadd.s32 s19, s18  }
0x9c: {  	s6 =	simm.s32 $0x0;
	s20 =	sshll.u32 s4, $0x1;
	s4 =	sadd.s32 s21, s2  }
0x9d: {  	[timem:s6], [sflag:s22] =	dma.local [hbm:s4], s20  }
0x9e: {  	_ =	swait.ge [sflag:s22], s20  }
0x9f: {  	s3 =	ssub.s32 $0x0, s20;
	[sflag:s22] =	ssyncset.done $0x0  }
0xa0: {  	[sflag:s22] =	ssyncadd.s32 s3;
	_ =	sdelay $0x1  }
0xa1: {  	s23 =	simm.s32 $0x1B8B  }
0xa2: {  	_ =	swait.ge [sflag:s23], $0x1  }
0xa3: {  	[sflag:s23] =	ssyncset.done $0x0  }
0xa4: {  	s25 =	simm.s32 $0x1B8E;
	s24 =	sld [smem:$0x3FFE];
	[sflag:s23] =	ssyncadd.s32 $0xFFFFFFFF  }
0xa5: {  	s26 =	simm.s32 $execute0_lowered;
	[smem:$0x3FD2] =	sst s25  }
0xa6: {  	s4 =	sshll.u32 s26, $0x1;
	_ =	strace $0x80000046;
	[dreg:$0x1] =	wrdreg $0xFFFFFFFF  }
0xa7: {  	s28 =	simm.s32 $_size_execute0_lowered;
	s2 =	sadd.s32 s2, s4;
	[dreg:$0x0] =	wrdreg $0x0  }
0xa8: {  	s4 =	sshll.u32 s28, $0x1;
	[dreg:$0x2] =	wrdreg s2  }
0xa9: {  	[dreg:$0x3] =	wrdreg s4  }
0xaa: {  	[dreg:$0x4] =	wrdreg $0xC0  }
0xab: {  	_ =	task [dreg:s6], $0x5FFFF  }
0xac: {  	[dreg:$0x1] =	wrdreg $0xFFFFFFFF  }
0xad: {  	[dreg:$0x0] =	wrdreg $0x60  }
0xae: {  	[dreg:$0x2] =	wrdreg s24  }
0xaf: {  	[dreg:$0x3] =	wrdreg $0xAA000  }
0xb0: {  	[dreg:$0x4] =	wrdreg $0x9  }
0xb1: {  	_ =	task.clear_ibuf [dreg:s6], $0x5FFFF;
	_ =	strace $0x90000046  }
0xb2: {  	s29 =	simm.s32 $0x9;
	_ =	strace $0x80000048  }
0xb3: {  	_ =	swait.ge [sflag:s29], $0x1  }
0xb4: {  	[sflag:s29] =	ssyncadd.s32 $0xFFFFFFFF  }
0xb5: {  	_ =	strace $0x90000048  }
0xb6: {  	_ =	sfence  }
0xb7: {  	s30 =	sld [smem:$0x0];
	_ =	sdelay $0x2  }
0xb8: {  	s31 =	sshll.u32 s1, $0xD;
	s1 =	sshrl.u32 s1, $0x2  }
0xb9: {  	s3 =	sand.u32 $0x4000, s31;
	s1 =	sadd.s32 s1, s30  }
0xba: {  	s0 =	sor.u32 s3, s0;
	s1 =	sshll.u32 s1, $0x11  }
0xbb: {  	s0 =	sor.u32 s1, s0  }
0xbc: {  	s0 =	sadd.s32 $0x8F2B, s0  }
0xbd: {  	[sflag:s0] =	ssyncadd.remote.s32 $0x1  }
0xbe: {  	_ =	sfence.sel $0xFFFF  }
0xbf: {  	[dreg:$0x0] =	wrdreg $0xFFFFFFFF;
	(pc) =	sbr.abs _section_cstart, $3  }
0xc0: {  	[dreg:$0x1] =	wrdreg $0xFFFFFFFF  }
0xc1: {  	_ =	task.clear_ibuf [dreg:s6], $0x2FFFF;
	_ =	strace $0x9FFFFFFF  }
0xc2: {  	(tm) =	ssettm $0x7FFFFFFF  }
0xc3: {  	_ =	shalt  }
tec
execute0_lowered:
.L_overlay_start_1:
0x0: {  	(tag) =	ssettag $0x1  }
0x1: {  	s0 =	rddreg [dreg:$0x0]  }
0x2: {  	s1 =	rddreg [dreg:$0x1];
	s2 =	srdreg.scid;
	s3 =	simm.s32 $0x0  }
0x3: {  	s12 =	stileid.u32;
	s16 =	simm.s32 $0x50;
	s28 =	simm.s32 $0x4  }
0x4: {  	s29 =	simm.s32 $0x1;
	s30 =	simm.s32 $0x4200;
	s7 =	smul.u32 $0x14000, s12  }
0x5: {  	s31 =	simm.s32 $0x2;
	s2 =	sand.u32 $0x1, s2;
	s18 =	smul.u32 $0x50000, s12  }
0x6: {  	[smem:$0x7FF] =	sst s3;
	s10 =	sshll.u32 s12, $0x7;
	s21 =	smul.u32 $0x4E, s12  }
0x7: {  	s23 =	sshll.u32 s12, $0x6;
	s4 =	sshll.u32 s2, $0x4;
	_ =	strace $0x80000047  }
0x8: {  	s8 =	smul.u32 $0x140000, s2;
	s10 =	sand.u32 $0x380, s10;
	s19 =	ssub.s32 $0x2, s2  }
0x9: {  	p0 =	seq.s32 s2, $0x0;
	s5 =	sor.u32 s12, s4;
	s4 =	sadd.s32 $0x1C00, s0  }
0xa: {  	s11 =	sshrl.u32 s7, $0x3;
	s20 =	sshrl.u32 s19, $0x1;
	s16 =	simm.s32 @!p0 $0x4E  }
0xb: {  	s6 =	sshrl.u32 s5, $0x3;
	s5 =	sadd.s32 $0x33A00, s0;
	s11 =	sadd.s32 s11, s0  }
0xc: {  	s7 =	sadd.s32 s7, s8;
	s9 =	smul.u32 $0x14000, s6;
	s6 =	sadd.s32 $0x29C00, s0  }
0xd: {  	s7 =	sshrl.u32 s7, $0x3;
	s22 =	sadd.s32 $0x3D800, s11;
	s11 =	sadd.s32 $0xFFFFFFFF, s16  }
0xe: {  	s15 =	sadd.s32 s7, s0;
	s7 =	smul.u32 $0x50, s12;
	[dreg:$0x3] =	wrdreg s22  }
0xf: {  	s22 =	simm.s32 $0x80;
	s17 =	sor.u32 s10, s9;
	s9 =	sshrl.u32 s18, $0x2  }
0x10: {  	s18 =	ssub.s32 s19, s20;
	s20 =	simm.s32 $0x5;
	s8 =	sshrl.u32 s17, $0x3  }
0x11: {  	s19 =	sadd.s32 s9, s1;
	s9 =	sor.u32 $0x1C05, s23;
	s18 =	smax.u32 s18, $0x1  }
0x12: {  	s23 =	simm.s32 $0x180;
	s0 =	sadd.s32 s8, s0;
	s8 =	sadd.s32 $0x500, s21  }
0x13: {  	s19 =	sshrl.u32 s19, $0x3;
	s21 =	simm.s32 $0x100;
	s8 =	smov.u32 @p0 s7  }
0x14: {  	s7 =	sshrl.u32 s16, $0x1;
	s16 =	sadd.s32 $0x65800, s15;
	s24 =	sshll.u32 s8, $0x4  }
0x15: {  	s17 =	sadd.s32 $0xB5800, s0;
	s25 =	sadd.s32 s5, s24;
	s26 =	sor.u32 $0x10, s24  }
0x16: {  	s2 =	sadd.s32 s6, s24;
	s24 =	simm.s32 $0x3;
	[dreg:$0x4] =	wrdreg s25  }
0x17: {  	[dreg:$0x5] =	wrdreg s2;
	s13 =	sadd.s32 s5, s26;
	s14 =	sadd.s32 s6, s26  }
0x18: {  	v0 =	vimm.f32 $0.0e+00;
	v1 =	vimm.f32 $1.000000000e+00;
	s25 =	simm.s32 $0x200;
	s26 =	simm.s32 $0x8200;
	s2 =	simm.s32 $0x0  }
.LBB2_1:
0x19: {  	s0 =	rddreg [dreg:$0x3]  }
0x1a: {  	[spmem:s19], [sflag:s9] =	dma.local [hbm:s0], $0x2800  }
0x1b: {  	_ =	swait.ge [sflag:s20], $0x2800  }
0x1c: {  	[sflag:s20] =	ssyncset.done $0x0  }
0x1d: {  	s15 =	simm.s32 $0x0;
	s0 =	simm.s32 $0x40;
	[sflag:s20] =	ssyncadd.s32 $0xFFFFD800  }
.LBB2_2:
0x1e: {  	p0 =	sne.s32 s0, $0x9FC0;
	[tilespmem:s15+$0x8200] =	vst v0;
	s15 =	smov.u32 s0;
	s0 =	sadd.s32 $0x40, s0  }
.Ltmp0:
0x1f: {  	(pc) =	sbr.rel @p0 .LBB2_2-.Ltmp0, $2  }
0x20: {  	_ =	sdelay $0x2  }
0x21: {  	s15 =	sshra.s32 s15, $0x2  }
0x22: {  	[tilespmem:s15+$0x8200] =	vst v0  }
0x23: {  	[bflag:$0x0] =	sbarrier.arrive $0xFFFF  }
0x24: {  	s0 =	rddreg [dreg:$0x4]  }
0x25: {  	[tilespmem:s3], [sflag:$0x3] =	stream.linear.gather [hbm4b:s0+s3], $0x80, $0x38;
	[tilespmem:$0x1EA00] =	vst v63  }
0x26: {  	s15 =	rddreg [dreg:$0x5]  }
0x27: {  	[tilespmem:s21], [sflag:$0x3] =	stream.linear.gather [hbm4b:s15+s3], $0x80, $0x38;
	[tilespmem:$0x1EA00] =	vst v63  }
0x28: {  	_ = 	snop  }
0x29: {  	[tilespmem:s22], [sflag:$0x4] =	stream.linear.gather [hbm4b:s13+s3], $0x80, $0x38;
	[tilespmem:$0x1EA00] =	vst v63  }
0x2a: {  	s0 =	simm.s32 $0x2;
	s15 =	smov.u32 s7  }
0x2b: {  	[tilespmem:s23], [sflag:$0x4] =	stream.linear.gather [hbm4b:s14+s3], $0x80, $0x38;
	[tilespmem:$0x1EA00] =	vst v63  }
.LBB2_4:
0x2c: {  	_ =	swait.ge [sflag:s24], $0x80  }
0x2d: {  	[sflag:s24] =	ssyncset.done $0x0  }
0x2e: {  	[sflag:s24] =	ssyncadd.s32 $0xFFFFFF80  }
0x2f: {  	_ =	swait.ge [sflag:s24], $0x80  }
0x30: {  	[sflag:s24] =	ssyncset.done $0x0  }
0x31: {  	[sflag:s24] =	ssyncadd.s32 $0xFFFFFF80  }
0x32: {  	[tilespmem:s25], [sflag:$0x1] =	stream.indirect.gather [hbm4b:s4+s22], $0x80, s3, s22, $0xb8;
	[tilespmem:$0x1EA00] =	vst v63  }
0x33: {  	v2 =	vld [tilespmem:$0x100];
	_ =	sdelay $0x7  }
0x34: {  	[tilespmem:v2+s26+$0x0] =	vst.idx.add.f32.msk $0xffff, v1  }
0x35: {  	v2 =	vld [tilespmem:$0x110];
	_ =	sdelay $0x7  }
0x36: {  	[tilespmem:v2+s26+$0x0] =	vst.idx.add.f32.msk $0xffff, v1  }
0x37: {  	v2 =	vld [tilespmem:$0x120];
	_ =	sdelay $0x7  }
0x38: {  	[tilespmem:v2+s26+$0x0] =	vst.idx.add.f32.msk $0xffff, v1  }
0x39: {  	v2 =	vld [tilespmem:$0x130];
	_ =	sdelay $0x7  }
0x3a: {  	[tilespmem:v2+s26+$0x0] =	vst.idx.add.f32.msk $0xffff, v1  }
0x3b: {  	v2 =	vld [tilespmem:$0x140];
	_ =	sdelay $0x7  }
0x3c: {  	[tilespmem:v2+s26+$0x0] =	vst.idx.add.f32.msk $0xffff, v1  }
0x3d: {  	v2 =	vld [tilespmem:$0x150];
	_ =	sdelay $0x7  }
0x3e: {  	[tilespmem:v2+s26+$0x0] =	vst.idx.add.f32.msk $0xffff, v1  }
0x3f: {  	v2 =	vld [tilespmem:$0x160];
	_ =	sdelay $0x7  }
0x40: {  	[tilespmem:v2+s26+$0x0] =	vst.idx.add.f32.msk $0xffff, v1  }
0x41: {  	v2 =	vld [tilespmem:$0x170];
	_ =	sdelay $0x7  }
0x42: {  	[tilespmem:v2+s26+$0x0] =	vst.idx.add.f32.msk $0xffff, v1  }
0x43: {  	_ =	swait.ge [sflag:s28], $0x80  }
0x44: {  	[sflag:s28] =	ssyncset.done $0x0  }
0x45: {  	[sflag:s28] =	ssyncadd.s32 $0xFFFFFF80  }
0x46: {  	_ =	swait.ge [sflag:s28], $0x80  }
0x47: {  	[sflag:s28] =	ssyncset.done $0x0  }
0x48: {  	[sflag:s28] =	ssyncadd.s32 $0xFFFFFF80  }
0x49: {  	_ =	swait.ge [sflag:s29], $0x4000  }
0x4a: {  	p0 =	slt.s32 s0, s11;
	s10 =	smov.u32 s11;
	[sflag:s29] =	ssyncset.done $0x0  }
0x4b: {  	s10 =	smov.u32 @p0 s0;
	[sflag:s29] =	ssyncadd.s32 $0xFFFFC000  }
0x4c: {  	[tilespmem:s30], [sflag:$0x2] =	stream.indirect.gather [hbm4b:s4+s22], $0x80, s22, s22, $0xb8;
	[tilespmem:$0x1EA00] =	vst v63  }
0x4d: {  	s10 =	sadd.s32 s8, s10  }
0x4e: {  	[spmem:s1] =	stream.indirect.scatter.add.f32 [tilespmem:s25], [sflag:$0x5], $0x80, s21, s22, $0xb8;
	[tilespmem:$0x1EA00] =	vst v63  }
0x4f: {  	s10 =	sshll.u32 s10, $0x4;
	_ =	swait.ge [sflag:s20], $0x4000  }
0x50: {  	s10 =	sand.u32 $0x1FFFFFF0, s10;
	[sflag:s20] =	ssyncset.done $0x0  }
0x51: {  	s12 =	sadd.s32 s5, s10;
	[sflag:s20] =	ssyncadd.s32 $0xFFFFC000  }
0x52: {  	[tilespmem:s3], [sflag:$0x3] =	stream.linear.gather [hbm4b:s12+s3], $0x80, $0x38;
	[tilespmem:$0x1EA00] =	vst v63  }
0x53: {  	s10 =	sadd.s32 s6, s10  }
0x54: {  	[tilespmem:s21], [sflag:$0x3] =	stream.linear.gather [hbm4b:s10+s3], $0x80, $0x38;
	[tilespmem:$0x1EA00] =	vst v63  }
0x55: {  	v2 =	vld [tilespmem:$0x180];
	_ =	sdelay $0x7  }
0x56: {  	[tilespmem:v2+s26+$0x0] =	vst.idx.add.f32.msk $0xffff, v1  }
0x57: {  	v2 =	vld [tilespmem:$0x190];
	_ =	sdelay $0x7  }
0x58: {  	[tilespmem:v2+s26+$0x0] =	vst.idx.add.f32.msk $0xffff, v1  }
0x59: {  	v2 =	vld [tilespmem:$0x1A0];
	_ =	sdelay $0x7  }
0x5a: {  	[tilespmem:v2+s26+$0x0] =	vst.idx.add.f32.msk $0xffff, v1  }
0x5b: {  	v2 =	vld [tilespmem:$0x1B0];
	_ =	sdelay $0x7  }
0x5c: {  	[tilespmem:v2+s26+$0x0] =	vst.idx.add.f32.msk $0xffff, v1  }
0x5d: {  	v2 =	vld [tilespmem:$0x1C0];
	_ =	sdelay $0x7  }
0x5e: {  	[tilespmem:v2+s26+$0x0] =	vst.idx.add.f32.msk $0xffff, v1  }
0x5f: {  	v2 =	vld [tilespmem:$0x1D0];
	_ =	sdelay $0x7  }
0x60: {  	[tilespmem:v2+s26+$0x0] =	vst.idx.add.f32.msk $0xffff, v1  }
0x61: {  	v2 =	vld [tilespmem:$0x1E0];
	_ =	sdelay $0x7  }
0x62: {  	[tilespmem:v2+s26+$0x0] =	vst.idx.add.f32.msk $0xffff, v1  }
0x63: {  	v2 =	vld [tilespmem:$0x1F0];
	_ =	sdelay $0x7  }
0x64: {  	s10 =	sadd.s32 $0x1, s0;
	[tilespmem:v2+s26+$0x0] =	vst.idx.add.f32.msk $0xffff, v1  }
0x65: {  	s12 =	smov.u32 s11;
	p0 =	slt.s32 s10, s11;
	_ =	swait.ge [sflag:s31], $0x4000  }
0x66: {  	s12 =	smov.u32 @p0 s10;
	[sflag:s31] =	ssyncset.done $0x0  }
0x67: {  	s10 =	sadd.s32 s8, s12;
	[sflag:s31] =	ssyncadd.s32 $0xFFFFC000  }
0x68: {  	[spmem:s1] =	stream.indirect.scatter.add.f32 [tilespmem:s30], [sflag:$0x5], $0x80, s23, s22, $0xb8;
	[tilespmem:$0x1EA00] =	vst v63  }
0x69: {  	p0 =	sne.s32 s15, $0x1;
	s10 =	sshll.u32 s10, $0x4;
	_ =	swait.ge [sflag:s20], $0x4000  }
.Ltmp1:
0x6a: {  	s10 =	sand.u32 $0x1FFFFFF0, s10;
	[sflag:s20] =	ssyncset.done $0x0;
	(pc) =	sbr.rel @p0 .LBB2_4-.Ltmp1, $4  }
0x6b: {  	s12 =	sadd.s32 s5, s10;
	[sflag:s20] =	ssyncadd.s32 $0xFFFFC000  }
0x6c: {  	[tilespmem:s22], [sflag:$0x4] =	stream.linear.gather [hbm4b:s12+s3], $0x80, $0x38;
	[tilespmem:$0x1EA00] =	vst v63  }
0x6d: {  	s0 =	sadd.s32 $0x2, s0;
	s15 =	sadd.s32 $0xFFFFFFFF, s15;
	s10 =	sadd.s32 s6, s10  }
0x6e: {  	[tilespmem:s23], [sflag:$0x4] =	stream.linear.gather [hbm4b:s10+s3], $0x80, $0x38;
	[tilespmem:$0x1EA00] =	vst v63  }
0x6f: {  	_ =	swait.ge [sflag:s24], $0x80  }
0x70: {  	[sflag:s24] =	ssyncset.done $0x0  }
0x71: {  	[sflag:s24] =	ssyncadd.s32 $0xFFFFFF80  }
0x72: {  	_ =	swait.ge [sflag:s24], $0x80  }
0x73: {  	[sflag:s24] =	ssyncset.done $0x0  }
0x74: {  	[sflag:s24] =	ssyncadd.s32 $0xFFFFFF80  }
0x75: {  	_ =	swait.ge [sflag:s28], $0x80  }
0x76: {  	[sflag:s28] =	ssyncset.done $0x0  }
0x77: {  	[sflag:s28] =	ssyncadd.s32 $0xFFFFFF80  }
0x78: {  	_ =	swait.ge [sflag:s28], $0x80  }
0x79: {  	[sflag:s28] =	ssyncset.done $0x0  }
0x7a: {  	[sflag:s28] =	ssyncadd.s32 $0xFFFFFF80  }
0x7b: {  	[bflag:$0x0] =	sbarrier.arrive $0xFFFF  }
0x7c: {  	[hbm:s16], [sflag:s9] =	dma.local [spmem:s19], $0x2800  }
0x7d: {  	s2 =	sadd.s32 $0x1, s2;
	_ =	swait.ge [sflag:s20], $0x2800  }
0x7e: {  	p0 =	sne.s32 s2, s18;
	[sflag:s20] =	ssyncset.done $0x0  }
.Ltmp2:
0x7f: {  	s0 =	simm.s32 $0x400;
	[sflag:s20] =	ssyncadd.s32 $0xFFFFD800;
	(pc) =	sbr.rel @p0 .LBB2_1-.Ltmp2, $4  }
0x80: {  	[hbm4b:s17+s22] =	stream.strided.scatter [tilespmem:s26], [sflag:$0x5], $0x2800, s0, s22, $0x38;
	[tilespmem:$0x1EA00] =	vst v63  }
0x81: {  	_ =	swait.ge [sflag:s20], $0x2800  }
0x82: {  	[sflag:s20] =	ssyncset.done $0x0  }
0x83: {  	[sflag:s20] =	ssyncadd.s32 $0xFFFFD800  }
0x84: {  	_ =	sfence.sel $0x180000  }
0x85: {  	[bflag:$0x0] =	sbarrier.arrive $0xFFFF  }
0x86: {  	_ =	strace $0x90000047  }
0x87: {  	s0 =	stileid.u32;
	[bflag:$0x2] =	sbarrier.arrive $0xFFFF  }
0x88: {  	p0 =	sne.s32 s0, $0x0;
	s0 =	rddreg [dreg:$0x2]  }
0x89: {  	s0 =	sadd.s32 @!p0 $0x100000, s0  }
0x8a: {  	[sflag:s0] =	ssyncadd.tile.s32 @!p0 $0x1;
	_ =	shalt  }
.Lfunc_end2:
_tile_overlayer_lowered:
.L_overlay_start_2:
0x8b: {  	(tag) =	ssettag $0x2  }
0x8c: {  	s0 =	rddreg [dreg:$0x0];
	s2 =	stileid.u32  }
0x8d: {  	s1 =	rddreg [dreg:$0x1];
	p0 =	sne.s32 s2, $0x0  }
0x8e: {  	s3 =	rddreg [dreg:$0x2];
	[bflag:$0x3] =	sbarrier.arrive $0xFFFF;
	s2 =	simm.s32 @!p0 $0x1C05  }
0x8f: {  	[timem:s3], [sflag:s2] =	dma.local @!p0 [hbm:s0], s1  }
0x90: {  	s0 =	simm.s32 @!p0 $0x5  }
0x91: {  	_ =	swait.ge @!p0 [sflag:s0], s1  }
0x92: {  	s1 =	ssub.s32 @!p0 $0x0, s1;
	[sflag:s0] =	ssyncset.done @!p0 $0x0  }
0x93: {  	[sflag:s0] =	ssyncadd.s32 @!p0 s1  }
0x94: {  	[bflag:$0x3] =	sbarrier.arrive $0xFFFF  }
0x95: {  	_ =	shalt  }

</sc_bundles>
